<compile_context>
chip_gen: v7x
topology: tpu7x:2x2x1
jax: 0.10.2.dev20260603
libtpu: 0.0.44.dev20260713+nightly
codegen_flags: <defaults>
</compile_context>

<pallas_src>
import functools

import jax
import jax.numpy as jnp
from jax import lax
from jax.experimental import pallas as pl
from jax.experimental.pallas import tpu as pltpu
from jax.experimental.pallas import tpu_sc as plsc

N = 8192
KNN = 30
NG = 8
RB = 128
CT = 512
NBLK = N // RB
RB2 = 256
NB2 = N // RB2
EPS = 1e-5
F32 = jnp.float32
BF16 = jnp.bfloat16



def _knn_body(t0_ref, t1_ref, xn_ref, sqr_ref, sqc_ref, batr_ref, batc_ref,
              idx_ref, d_scr):
    i = pl.program_id(0)
    a0 = t0_ref[i]
    a1 = t1_ref[i]
    xb = xn_ref[pl.ds(i * RB, RB), :].astype(BF16)
    sqr = sqr_ref[...]
    batr = batr_ref[...]

    def fill(t, _):
        c0 = t * CT
        xt = xn_ref[pl.ds(c0, CT), :].astype(BF16)
        d = lax.dot_general(xb, xt, (((1,), (1,)), ((), ())),
                            preferred_element_type=F32)
        d = sqr + sqc_ref[:, pl.ds(c0, CT)] - 2.0 * d
        bc = batc_ref[:, pl.ds(c0, CT)]
        d = jnp.where(batr != bc, jnp.inf, d)
        d_scr[:, pl.ds(c0, CT)] = d
        return 0

    lax.fori_loop(a0, a1, fill, 0)

    lane_t = lax.broadcasted_iota(jnp.int32, (RB, 32), 1)

    def extract(t, carry):
        prevj, acc = carry

        def scan_tile(tt, c2):
            mval, marg = c2
            c0 = tt * CT
            d = d_scr[:, pl.ds(c0, CT)]
            ci = lax.broadcasted_iota(jnp.int32, (RB, CT), 1) + c0
            d = jnp.where(ci == prevj, jnp.inf, d)
            d_scr[:, pl.ds(c0, CT)] = d
            tmin = jnp.min(d, axis=1, keepdims=True)
            targ = jnp.min(jnp.where(d <= tmin, ci, jnp.int32(2**30)),
                           axis=1, keepdims=True)
            upd = tmin < mval
            return (jnp.where(upd, tmin, mval), jnp.where(upd, targ, marg))

        mval0 = jnp.full((RB, 1), jnp.inf, F32)
        marg0 = jnp.zeros((RB, 1), jnp.int32)
        _, marg = lax.fori_loop(a0, a1, scan_tile, (mval0, marg0))
        acc = jnp.where(lane_t == t, marg, acc)
        return (marg, acc)

    prevj0 = jnp.full((RB, 1), -1, jnp.int32)
    acc0 = jnp.zeros((RB, 32), jnp.int32)
    _, acc = lax.fori_loop(0, KNN, extract, (prevj0, acc0))
    idx_ref[...] = acc


def _knn_call(xn, sqr, sqc, batr, batc, t0, t1):
    f = xn.shape[1]
    return pl.pallas_call(
        _knn_body,
        out_shape=jax.ShapeDtypeStruct((N, 32), jnp.int32),
        grid=(NBLK,),
        in_specs=[
            pl.BlockSpec(memory_space=pltpu.SMEM),
            pl.BlockSpec(memory_space=pltpu.SMEM),
            pl.BlockSpec((N, f), lambda i: (0, 0)),
            pl.BlockSpec((RB, 1), lambda i: (i, 0)),
            pl.BlockSpec((1, N), lambda i: (0, 0)),
            pl.BlockSpec((RB, 1), lambda i: (i, 0)),
            pl.BlockSpec((1, N), lambda i: (0, 0)),
        ],
        out_specs=pl.BlockSpec((RB, 32), lambda i: (i, 0)),
        scratch_shapes=[pltpu.VMEM((RB, N), F32)],
    )(t0, t1, xn, sqr, sqc, batr, batc)



def _gather_rows(table, idxf):
    b = idxf.shape[0]
    w = table.shape[1]
    nw = 32
    bpw = b // nw
    ch = 128
    nch = bpw // ch
    mesh = plsc.VectorSubcoreMesh(core_axis_name="c", subcore_axis_name="s")

    @functools.partial(
        pl.kernel, mesh=mesh,
        out_type=jax.ShapeDtypeStruct((b, w), F32),
        scratch_types=[
            pltpu.VMEM((ch,), jnp.int32),
            pltpu.VMEM((ch, w), F32),
            pltpu.SemaphoreType.DMA,
        ],
    )
    def gk(tab_hbm, idx_hbm, out_hbm, idx_v, rows_v, sem):
        wid = lax.axis_index("s") * 2 + lax.axis_index("c")
        base = wid * bpw

        def body(j, _):
            off = base + j * ch
            pltpu.sync_copy(idx_hbm.at[pl.ds(off, ch)], idx_v)
            pltpu.async_copy(tab_hbm.at[idx_v], rows_v, sem).wait()
            pltpu.sync_copy(rows_v, out_hbm.at[pl.ds(off, ch)])
            return 0

        lax.fori_loop(0, nch, body, 0)

    return gk(table, idxf)



PB = 64
EB = PB * KNN
NEB = N // PB


def _edge1_body(tab_ref, g_ref, w_ref, b_ref, y_ref):
    xi = tab_ref[:, :64]
    xir = jnp.broadcast_to(xi[:, None, :], (PB, KNN, 64)).reshape(EB, 64)
    xj = g_ref[:, :64]
    e = jnp.concatenate([xir, xj - xir], axis=1).astype(BF16)
    y_ref[...] = jnp.dot(e, w_ref[...].astype(BF16),
                         preferred_element_type=F32) + b_ref[...]


def _edge1_call(tab, g2d, w1tp, b1):
    return pl.pallas_call(
        _edge1_body,
        out_shape=jax.ShapeDtypeStruct((N * KNN, 64), F32),
        grid=(NEB,),
        in_specs=[
            pl.BlockSpec((PB, 128), lambda i: (i, 0)),
            pl.BlockSpec((EB, 128), lambda i: (i, 0)),
            pl.BlockSpec((128, 64), lambda i: (0, 0)),
            pl.BlockSpec((1, 64), lambda i: (0, 0)),
        ],
        out_specs=pl.BlockSpec((EB, 64), lambda i: (i, 0)),
    )(tab, g2d, w1tp, b1)


def _edge2_body(a1_ref, mu_ref, den_ref, g_ref, be_ref, w_ref, b_ref, y_ref):
    y1 = jnp.maximum(a1_ref[...], 0.0)
    x = g_ref[...] * (y1 - mu_ref[...]) / den_ref[...] + be_ref[...]
    y_ref[...] = jnp.dot(x.astype(BF16), w_ref[...].astype(BF16),
                         preferred_element_type=F32) + b_ref[...]


def _edge2_call(y1, mu1, den1, g1, be1, w2t, b2):
    return pl.pallas_call(
        _edge2_body,
        out_shape=jax.ShapeDtypeStruct((N * KNN, 64), F32),
        grid=(NEB,),
        in_specs=[
            pl.BlockSpec((EB, 64), lambda i: (i, 0)),
            pl.BlockSpec((1, 64), lambda i: (0, 0)),
            pl.BlockSpec((1, 64), lambda i: (0, 0)),
            pl.BlockSpec((1, 64), lambda i: (0, 0)),
            pl.BlockSpec((1, 64), lambda i: (0, 0)),
            pl.BlockSpec((64, 64), lambda i: (0, 0)),
            pl.BlockSpec((1, 64), lambda i: (0, 0)),
        ],
        out_specs=pl.BlockSpec((EB, 64), lambda i: (i, 0)),
    )(y1, mu1, den1, g1, be1, w2t, b2)


def _bnmax_body(a2_ref, mu_ref, den_ref, g_ref, be_ref, x_ref):
    y2 = jnp.maximum(a2_ref[...], 0.0)
    z = (g_ref[...] * (y2 - mu_ref[...])) / den_ref[...] + be_ref[...]
    x_ref[...] = jnp.max(z.reshape(PB, KNN, 64), axis=1)


def _bnmax_call(y2, mu2, den2, g2, be2):
    return pl.pallas_call(
        _bnmax_body,
        out_shape=jax.ShapeDtypeStruct((N, 64), F32),
        grid=(NEB,),
        in_specs=[
            pl.BlockSpec((EB, 64), lambda i: (i, 0)),
            pl.BlockSpec((1, 64), lambda i: (0, 0)),
            pl.BlockSpec((1, 64), lambda i: (0, 0)),
            pl.BlockSpec((1, 64), lambda i: (0, 0)),
            pl.BlockSpec((1, 64), lambda i: (0, 0)),
        ],
        out_specs=pl.BlockSpec((PB, 64), lambda i: (i, 0)),
    )(y2, mu2, den2, g2, be2)



def _mlp_body(x_ref, w_ref, b_ref, y_ref, s_ref, q_ref):
    y = jnp.maximum(
        jnp.dot(x_ref[...], w_ref[...], precision=lax.Precision.HIGHEST,
                preferred_element_type=F32) + b_ref[...], 0.0)
    y_ref[...] = y
    s_ref[0] = jnp.sum(y, axis=0, keepdims=True)
    q_ref[0] = jnp.sum(y * y, axis=0, keepdims=True)


def _mlp_call(x, wt, b):
    fin = x.shape[1]
    fout = wt.shape[1]
    nb = N // 512
    return pl.pallas_call(
        _mlp_body,
        out_shape=[jax.ShapeDtypeStruct((N, fout), F32),
                   jax.ShapeDtypeStruct((nb, 1, fout), F32),
                   jax.ShapeDtypeStruct((nb, 1, fout), F32)],
        grid=(nb,),
        in_specs=[
            pl.BlockSpec((512, fin), lambda i: (i, 0)),
            pl.BlockSpec((fin, fout), lambda i: (0, 0)),
            pl.BlockSpec((1, fout), lambda i: (0, 0)),
        ],
        out_specs=[pl.BlockSpec((512, fout), lambda i: (i, 0)),
                   pl.BlockSpec((1, 1, fout), lambda i: (i, 0, 0)),
                   pl.BlockSpec((1, 1, fout), lambda i: (i, 0, 0))],
    )(x, wt, b)


def _final_body(x_ref, w_ref, b_ref, o_ref):
    z = jnp.dot(x_ref[...], w_ref[...], precision=lax.Precision.HIGHEST,
                preferred_element_type=F32) + b_ref[...]
    mx = jnp.max(z, axis=1, keepdims=True)
    ls = jnp.log(jnp.sum(jnp.exp(z - mx), axis=1, keepdims=True)) + mx
    o_ref[...] = z - ls


def _final_call(x, wt, b):
    return pl.pallas_call(
        _final_body,
        out_shape=jax.ShapeDtypeStruct((N, 13), F32),
        grid=(N // 512,),
        in_specs=[
            pl.BlockSpec((512, 128), lambda i: (i, 0)),
            pl.BlockSpec((128, 13), lambda i: (0, 0)),
            pl.BlockSpec((1, 13), lambda i: (0, 0)),
        ],
        out_specs=pl.BlockSpec((512, 13), lambda i: (i, 0)),
    )(x, wt, b)



def _finish_stats(s, q, n, g, be):
    s = s.reshape(-1, s.shape[-1])
    q = q.reshape(-1, q.shape[-1])
    mu = jnp.sum(s, axis=0) / n
    var = jnp.sum(q, axis=0) / n - mu * mu
    a = g * lax.rsqrt(var + EPS)
    c = be - mu * a
    return a, c


def kernel(pos, batch, params):
    batch32 = batch.astype(jnp.int32)
    gids = jnp.arange(NG, dtype=jnp.int32)
    seg_lo = jnp.searchsorted(batch32, gids, side='left').astype(jnp.int32)
    seg_hi = jnp.searchsorted(batch32, gids, side='right').astype(jnp.int32)
    rb = batch32.reshape(NBLK, RB)
    t0 = (seg_lo[rb[:, 0]] // CT).astype(jnp.int32)
    t1 = ((seg_hi[rb[:, -1]] + CT - 1) // CT).astype(jnp.int32)
    batr = batch32.reshape(N, 1)
    batc = batch32.reshape(1, N)

    x = pos
    feats = []
    for ci in range(3):
        (w1, b1, g1, be1), (w2, b2, g2, be2) = params['conv' + str(ci + 1)]
        f = x.shape[1]
        xp = jnp.pad(x, ((0, 0), (0, 8 - f))) if f < 8 else x
        sq = jnp.sum(x * x, axis=1, keepdims=True)
        idx32 = _knn_call(xp, sq, sq.reshape(1, N), batr, batc, t0, t1)
        idxf = idx32[:, :KNN].reshape(-1)
        tab = jnp.pad(x, ((0, 0), (0, 128 - f)))
        g2d = _gather_rows(tab, idxf)
        w1tp = (jnp.zeros((128, 64), F32)
                .at[:f].set(w1[:, :f].T)
                .at[64:64 + f].set(w1[:, f:].T))
        a1 = _edge1_call(tab, g2d, w1tp, b1[None])
        y1s = jnp.maximum(a1, 0.0)
        mu1 = jnp.mean(y1s, axis=0)
        den1 = jnp.sqrt(jnp.var(y1s, axis=0) + EPS)
        a2 = _edge2_call(a1, mu1[None], den1[None], g1[None], be1[None],
                         w2.T, b2[None])
        y2s = jnp.maximum(a2, 0.0)
        mu2 = jnp.mean(y2s, axis=0)
        den2 = jnp.sqrt(jnp.var(y2s, axis=0) + EPS)
        x = _bnmax_call(a2, mu2[None], den2[None], g2[None], be2[None])
        feats.append(x)

    cat = jnp.concatenate(feats, axis=1)
    (wl, bl, gl, bel) = params['lin1'][0]
    y, s, q = _mlp_call(cat, wl.T, bl[None, :])
    a, c = _finish_stats(s, q, float(N), gl, bel)
    (wh, bh, gh, beh) = params['head1'][0]
    y, s, q = _mlp_call(y, wh.T * a[:, None], (bh + wh @ c)[None, :])
    a, c = _finish_stats(s, q, float(N), gh, beh)
    (wh2, bh2, gh2, beh2) = params['head2'][0]
    y, s, q = _mlp_call(y, wh2.T * a[:, None], (bh2 + wh2 @ c)[None, :])
    a, c = _finish_stats(s, q, float(N), gh2, beh2)
    wf, bf = params['final']
    return _final_call(y, wf.T * a[:, None], (bf + wf @ c)[None, :])

# --- scband reference (transcript-rebuilt; emitter-appended) ---
"""Pipeline reference for scband-net-42769284334223 (READ-ONLY COPY).

The authoritative reference and input builder live on the scoring server;
editing this copy changes nothing except your own understanding.
"""

import jax, jax.numpy as jnp
import numpy as np

K = 30
N_POINTS = 8192
N_GRAPHS = 8
OUT_CHANNELS = 13


def _init_lin(key, fin, fout):
    k1, k2 = jax.random.split(key)
    s = 1.0 / np.sqrt(fin)
    W = jax.random.uniform(k1, (fout, fin), minval=-s, maxval=s, dtype=jnp.float32)
    b = jax.random.uniform(k2, (fout,), minval=-s, maxval=s, dtype=jnp.float32)
    return (W, b)


def _init_mlp(key, channels):
    layers = []
    for i in range(1, len(channels)):
        key, sub = jax.random.split(key)
        W, b = _init_lin(sub, channels[i - 1], channels[i])
        g = jnp.ones((channels[i],), dtype=jnp.float32)
        be = jnp.zeros((channels[i],), dtype=jnp.float32)
        layers.append((W, b, g, be))
    return layers


def setup_inputs(seed: int = 0) -> dict:
    key = jax.random.key(seed)
    ks = jax.random.split(key, 10)
    pos = jax.random.normal(ks[0], (N_POINTS, 3), dtype=jnp.float32)
    batch = jnp.sort(jax.random.randint(ks[1], (N_POINTS,), 0, N_GRAPHS)).astype(jnp.int64)
    params = {
        'conv1': _init_mlp(ks[2], [2 * 3, 64, 64]),
        'conv2': _init_mlp(ks[3], [2 * 64, 64, 64]),
        'conv3': _init_mlp(ks[4], [2 * 64, 64, 64]),
        'lin1': _init_mlp(ks[5], [3 * 64, 1024]),
        'head1': _init_mlp(ks[6], [1024, 256]),
        'head2': _init_mlp(ks[7], [256, 128]),
        'final': _init_lin(ks[8], 128, OUT_CHANNELS),
    }
    return {'pos': pos, 'batch': batch, 'params': params}


def _bn(x, g, b, eps=1e-5):
    # BatchNorm1d in training mode: batch statistics, biased variance
    mu = jnp.mean(x, axis=0)
    var = jnp.var(x, axis=0)
    return g * (x - mu) / jnp.sqrt(var + eps) + b


def _mlp(x, layers):
    # MLP block from PyG example: Seq(Lin, ReLU, BN) per layer
    for (W, b, g, be) in layers:
        x = jax.nn.relu(x @ W.T + b)
        x = _bn(x, g, be)
    return x


def _knn(x, batch, k):
    sq = jnp.sum(x * x, axis=1)
    d = sq[:, None] + sq[None, :] - 2.0 * (x @ x.T)
    d = jnp.where(batch[:, None] != batch[None, :], jnp.inf, d)
    _, idx = jax.lax.top_k(-d, k)  # [N, k] nearest (includes self)
    return idx


def _edge_conv(x, batch, layers, k):
    idx = _knn(x, batch, k)
    xj = x[idx]  # gather neighbor features [N, k, d]
    xi = jnp.broadcast_to(x[:, None, :], xj.shape)
    e = jnp.concatenate([xi, xj - xi], axis=-1)
    m = _mlp(e.reshape(-1, e.shape[-1]), layers)
    m = m.reshape(x.shape[0], k, -1)
    return jnp.max(m, axis=1)  # max aggregation


def reference(pos, batch, params):
    x1 = _edge_conv(pos, batch, params['conv1'], K)
    x2 = _edge_conv(x1, batch, params['conv2'], K)
    x3 = _edge_conv(x2, batch, params['conv3'], K)
    out = _mlp(jnp.concatenate([x1, x2, x3], axis=1), params['lin1'])
    out = _mlp(out, params['head1'])
    # Dropout(0.5) treated as identity (eval / deterministic reference)
    out = _mlp(out, params['head2'])
    W, b = params['final']
    out = out @ W.T + b
    return jax.nn.log_softmax(out, axis=1)

if __name__ == "__main__":
    import jax
    _d = setup_inputs()
    print(jax.jit(kernel)(*tuple(_d.values())))

</pallas_src>

<mosaic_0001>
#map = affine_map<(d0, d1) -> (0, 0)>
#map1 = affine_map<(d0, d1) -> (0)>
module attributes {stable_mosaic.version = 14 : i64} {
  func.func @gk(%arg0: i32, %arg1: i32, %arg2: memref<8192x128xf32, #tpu.memory_space<hbm>>, %arg3: memref<245760xi32, #tpu.memory_space<hbm>>, %arg4: memref<245760x128xf32, #tpu.memory_space<hbm>>, %arg5: memref<128xi32, #tpu.memory_space<vmem>>, %arg6: memref<128x128xf32, #tpu.memory_space<vmem>>, %arg7: memref<!tpu.dma_semaphore, #tpu.memory_space<semaphore_mem>>) attributes {dimension_semantics = [#tpu.dimension_semantics<core_parallel>, #tpu.dimension_semantics<subcore_parallel>], iteration_bounds = array<i64: 2, 16>, scalar_prefetch = 0 : i64, scratch_operands = 3 : i64, tpu.core_type = #tpu.core_type<sc_vector_subcore>, window_params = [{transform_indices = #map}, {transform_indices = #map1}, {transform_indices = #map}]} {
    %mul3A = arith.constant 2 : i32
    %mul3A_0 = arith.muli %arg1, %mul3A : i32
    %add3A = arith.addi %mul3A_0, %arg0 : i32
    %mul3A_1 = arith.constant 7680 : i32
    %mul3A_2 = arith.muli %add3A, %mul3A_1 : i32
    %scan3A = arith.constant 0 : i32
    %scan3A_3 = arith.constant 0 : i32
    %scan3A_4 = arith.constant 60 : i32
    %scan3A_5 = arith.addi %scan3A_3, %scan3A_4 : i32
    %scan3A_6 = arith.constant 1 : i32
    %scan3A_7 = scf.for %scan3A_9 = %scan3A_3 to %scan3A_5 step %scan3A_6 iter_args(%scan3A_10 = %scan3A) -> (i32)  : i32 {
      %mul3A_11 = arith.constant 128 : i32
      %mul3A_12 = arith.muli %scan3A_9, %mul3A_11 : i32
      %add3A_13 = arith.addi %mul3A_2, %mul3A_12 : i32
      "tpu.region"() ({
        %run_scoped3A = tpu.sem_alloc : memref<!tpu.dma_semaphore, #tpu.memory_space<semaphore_mem>>
        %dma_start3A_19 = tpu.memref_slice %arg3[%add3A_13] : memref<245760xi32, #tpu.memory_space<hbm>> -> memref<128xi32, #tpu.memory_space<hbm>>
        %dma_start3A_20 = tpu.memref_slice %arg3[%add3A_13] : memref<245760xi32, #tpu.memory_space<hbm>> -> memref<128xi32, #tpu.memory_space<hbm>>
        tpu.enqueue_dma source(%dma_start3A_20 : memref<128xi32, #tpu.memory_space<hbm>>) target(%arg5 : memref<128xi32, #tpu.memory_space<vmem>>) target_semaphore(%run_scoped3A : memref<!tpu.dma_semaphore, #tpu.memory_space<semaphore_mem>>)
        %dma_wait3A_21 = tpu.memref_slice %arg3[%add3A_13] : memref<245760xi32, #tpu.memory_space<hbm>> -> memref<128xi32, #tpu.memory_space<hbm>>
        %dma_wait3A_22 = tpu.memref_slice %arg3[%add3A_13] : memref<245760xi32, #tpu.memory_space<hbm>> -> memref<128xi32, #tpu.memory_space<hbm>>
        tpu.wait_dma2 semaphore(%run_scoped3A : memref<!tpu.dma_semaphore, #tpu.memory_space<semaphore_mem>>) src(%dma_wait3A_22 : memref<128xi32, #tpu.memory_space<hbm>>) dst(%arg5 : memref<128xi32, #tpu.memory_space<vmem>>)
        tpu.yield
      }) : () -> ()
      %dma_start3A = arith.constant 0 : i32
      %dma_start3A_14 = arith.constant 0 : i32
      %dma_start3A_15 = tpu.memref_slice %arg2[%dma_start3A, %dma_start3A_14] : memref<8192x128xf32, #tpu.memory_space<hbm>> -> memref<8192x128xf32, #tpu.memory_space<hbm>>
      tpu.enqueue_indirect_dma source(%dma_start3A_15 : memref<8192x128xf32, #tpu.memory_space<hbm>>) target(%arg6 : memref<128x128xf32, #tpu.memory_space<vmem>>) offsets(%arg5 : memref<128xi32, #tpu.memory_space<vmem>>) semaphore(%arg7 : memref<!tpu.dma_semaphore, #tpu.memory_space<semaphore_mem>>)
      %dma_wait3A = arith.constant 0 : i32
      %dma_wait3A_16 = arith.constant 0 : i32
      %dma_wait3A_17 = tpu.memref_slice %arg2[%dma_wait3A, %dma_wait3A_16] : memref<8192x128xf32, #tpu.memory_space<hbm>> -> memref<8192x128xf32, #tpu.memory_space<hbm>>
      tpu.wait_indirect_dma semaphore(%arg7 : memref<!tpu.dma_semaphore, #tpu.memory_space<semaphore_mem>>) src(%dma_wait3A_17 : memref<8192x128xf32, #tpu.memory_space<hbm>>) dst(%arg6 : memref<128x128xf32, #tpu.memory_space<vmem>>)
      "tpu.region"() ({
        %run_scoped3A = tpu.sem_alloc : memref<!tpu.dma_semaphore, #tpu.memory_space<semaphore_mem>>
        %dma_start3A_19 = arith.constant 0 : i32
        %dma_start3A_20 = tpu.memref_slice %arg4[%add3A_13, %dma_start3A_19] : memref<245760x128xf32, #tpu.memory_space<hbm>> -> memref<128x128xf32, #tpu.memory_space<hbm>>
        %dma_start3A_21 = arith.constant 0 : i32
        %dma_start3A_22 = tpu.memref_slice %arg4[%add3A_13, %dma_start3A_21] : memref<245760x128xf32, #tpu.memory_space<hbm>> -> memref<128x128xf32, #tpu.memory_space<hbm>>
        tpu.enqueue_dma source(%arg6 : memref<128x128xf32, #tpu.memory_space<vmem>>) target(%dma_start3A_22 : memref<128x128xf32, #tpu.memory_space<hbm>>) target_semaphore(%run_scoped3A : memref<!tpu.dma_semaphore, #tpu.memory_space<semaphore_mem>>)
        %dma_wait3A_23 = arith.constant 0 : i32
        %dma_wait3A_24 = tpu.memref_slice %arg4[%add3A_13, %dma_wait3A_23] : memref<245760x128xf32, #tpu.memory_space<hbm>> -> memref<128x128xf32, #tpu.memory_space<hbm>>
        %dma_wait3A_25 = arith.constant 0 : i32
        %dma_wait3A_26 = tpu.memref_slice %arg4[%add3A_13, %dma_wait3A_25] : memref<245760x128xf32, #tpu.memory_space<hbm>> -> memref<128x128xf32, #tpu.memory_space<hbm>>
        tpu.wait_dma2 semaphore(%run_scoped3A : memref<!tpu.dma_semaphore, #tpu.memory_space<semaphore_mem>>) src(%arg6 : memref<128x128xf32, #tpu.memory_space<vmem>>) dst(%dma_wait3A_26 : memref<128x128xf32, #tpu.memory_space<hbm>>)
        tpu.yield
      }) : () -> ()
      %scan3A_18 = arith.constant 0 : i32
      scf.yield %scan3A_18 : i32
    }
    %scan3A_8 = arith.constant 60 : i32
    return
  }
}

#map = affine_map<(d0, d1) -> (0, 0)>
#map1 = affine_map<(d0, d1) -> (0)>
module attributes {stable_mosaic.version = 14 : i64} {
  func.func @gk(%arg0: i32, %arg1: i32, %arg2: memref<8192x128xf32, #tpu.memory_space<hbm>>, %arg3: memref<245760xi32, #tpu.memory_space<hbm>>, %arg4: memref<245760x128xf32, #tpu.memory_space<hbm>>, %arg5: memref<128xi32, #tpu.memory_space<vmem>>, %arg6: memref<128x128xf32, #tpu.memory_space<vmem>>, %arg7: memref<!tpu.dma_semaphore, #tpu.memory_space<semaphore_mem>>) attributes {dimension_semantics = [#tpu.dimension_semantics<core_parallel>, #tpu.dimension_semantics<subcore_parallel>], iteration_bounds = array<i64: 2, 16>, scalar_prefetch = 0 : i64, scratch_operands = 3 : i64, tpu.core_type = #tpu.core_type<sc_vector_subcore>, window_params = [{transform_indices = #map}, {transform_indices = #map1}, {transform_indices = #map}]} {
    %mul3A = arith.constant 2 : i32
    %mul3A_0 = arith.muli %arg1, %mul3A : i32
    %add3A = arith.addi %mul3A_0, %arg0 : i32
    %mul3A_1 = arith.constant 7680 : i32
    %mul3A_2 = arith.muli %add3A, %mul3A_1 : i32
    %scan3A = arith.constant 0 : i32
    %scan3A_3 = arith.constant 0 : i32
    %scan3A_4 = arith.constant 60 : i32
    %scan3A_5 = arith.addi %scan3A_3, %scan3A_4 : i32
    %scan3A_6 = arith.constant 1 : i32
    %scan3A_7 = scf.for %scan3A_9 = %scan3A_3 to %scan3A_5 step %scan3A_6 iter_args(%scan3A_10 = %scan3A) -> (i32)  : i32 {
      %mul3A_11 = arith.constant 128 : i32
      %mul3A_12 = arith.muli %scan3A_9, %mul3A_11 : i32
      %add3A_13 = arith.addi %mul3A_2, %mul3A_12 : i32
      "tpu.region"() ({
        %run_scoped3A = tpu.sem_alloc : memref<!tpu.dma_semaphore, #tpu.memory_space<semaphore_mem>>
        %dma_start3A_19 = tpu.memref_slice %arg3[%add3A_13] : memref<245760xi32, #tpu.memory_space<hbm>> -> memref<128xi32, #tpu.memory_space<hbm>>
        %dma_start3A_20 = tpu.memref_slice %arg3[%add3A_13] : memref<245760xi32, #tpu.memory_space<hbm>> -> memref<128xi32, #tpu.memory_space<hbm>>
        tpu.enqueue_dma source(%dma_start3A_20 : memref<128xi32, #tpu.memory_space<hbm>>) target(%arg5 : memref<128xi32, #tpu.memory_space<vmem>>) target_semaphore(%run_scoped3A : memref<!tpu.dma_semaphore, #tpu.memory_space<semaphore_mem>>)
        %dma_wait3A_21 = tpu.memref_slice %arg3[%add3A_13] : memref<245760xi32, #tpu.memory_space<hbm>> -> memref<128xi32, #tpu.memory_space<hbm>>
        %dma_wait3A_22 = tpu.memref_slice %arg3[%add3A_13] : memref<245760xi32, #tpu.memory_space<hbm>> -> memref<128xi32, #tpu.memory_space<hbm>>
        tpu.wait_dma2 semaphore(%run_scoped3A : memref<!tpu.dma_semaphore, #tpu.memory_space<semaphore_mem>>) src(%dma_wait3A_22 : memref<128xi32, #tpu.memory_space<hbm>>) dst(%arg5 : memref<128xi32, #tpu.memory_space<vmem>>)
        tpu.yield
      }) : () -> ()
      %dma_start3A = arith.constant 0 : i32
      %dma_start3A_14 = arith.constant 0 : i32
      %dma_start3A_15 = tpu.memref_slice %arg2[%dma_start3A, %dma_start3A_14] : memref<8192x128xf32, #tpu.memory_space<hbm>> -> memref<8192x128xf32, #tpu.memory_space<hbm>>
      tpu.enqueue_indirect_dma source(%dma_start3A_15 : memref<8192x128xf32, #tpu.memory_space<hbm>>) target(%arg6 : memref<128x128xf32, #tpu.memory_space<vmem>>) offsets(%arg5 : memref<128xi32, #tpu.memory_space<vmem>>) semaphore(%arg7 : memref<!tpu.dma_semaphore, #tpu.memory_space<semaphore_mem>>)
      %dma_wait3A = arith.constant 0 : i32
      %dma_wait3A_16 = arith.constant 0 : i32
      %dma_wait3A_17 = tpu.memref_slice %arg2[%dma_wait3A, %dma_wait3A_16] : memref<8192x128xf32, #tpu.memory_space<hbm>> -> memref<8192x128xf32, #tpu.memory_space<hbm>>
      tpu.wait_indirect_dma semaphore(%arg7 : memref<!tpu.dma_semaphore, #tpu.memory_space<semaphore_mem>>) src(%dma_wait3A_17 : memref<8192x128xf32, #tpu.memory_space<hbm>>) dst(%arg6 : memref<128x128xf32, #tpu.memory_space<vmem>>)
      "tpu.region"() ({
        %run_scoped3A = tpu.sem_alloc : memref<!tpu.dma_semaphore, #tpu.memory_space<semaphore_mem>>
        %dma_start3A_19 = arith.constant 0 : i32
        %dma_start3A_20 = tpu.memref_slice %arg4[%add3A_13, %dma_start3A_19] : memref<245760x128xf32, #tpu.memory_space<hbm>> -> memref<128x128xf32, #tpu.memory_space<hbm>>
        %dma_start3A_21 = arith.constant 0 : i32
        %dma_start3A_22 = tpu.memref_slice %arg4[%add3A_13, %dma_start3A_21] : memref<245760x128xf32, #tpu.memory_space<hbm>> -> memref<128x128xf32, #tpu.memory_space<hbm>>
        tpu.enqueue_dma source(%arg6 : memref<128x128xf32, #tpu.memory_space<vmem>>) target(%dma_start3A_22 : memref<128x128xf32, #tpu.memory_space<hbm>>) target_semaphore(%run_scoped3A : memref<!tpu.dma_semaphore, #tpu.memory_space<semaphore_mem>>)
        %dma_wait3A_23 = arith.constant 0 : i32
        %dma_wait3A_24 = tpu.memref_slice %arg4[%add3A_13, %dma_wait3A_23] : memref<245760x128xf32, #tpu.memory_space<hbm>> -> memref<128x128xf32, #tpu.memory_space<hbm>>
        %dma_wait3A_25 = arith.constant 0 : i32
        %dma_wait3A_26 = tpu.memref_slice %arg4[%add3A_13, %dma_wait3A_25] : memref<245760x128xf32, #tpu.memory_space<hbm>> -> memref<128x128xf32, #tpu.memory_space<hbm>>
        tpu.wait_dma2 semaphore(%run_scoped3A : memref<!tpu.dma_semaphore, #tpu.memory_space<semaphore_mem>>) src(%arg6 : memref<128x128xf32, #tpu.memory_space<vmem>>) dst(%dma_wait3A_26 : memref<128x128xf32, #tpu.memory_space<hbm>>)
        tpu.yield
      }) : () -> ()
      %scan3A_18 = arith.constant 0 : i32
      scf.yield %scan3A_18 : i32
    }
    %scan3A_8 = arith.constant 60 : i32
    return
  }
}

#map = affine_map<(d0, d1) -> (0, 0)>
#map1 = affine_map<(d0, d1) -> (0)>
module attributes {stable_mosaic.version = 14 : i64} {
  func.func @gk(%arg0: i32, %arg1: i32, %arg2: memref<8192x128xf32, #tpu.memory_space<hbm>>, %arg3: memref<245760xi32, #tpu.memory_space<hbm>>, %arg4: memref<245760x128xf32, #tpu.memory_space<hbm>>, %arg5: memref<128xi32, #tpu.memory_space<vmem>>, %arg6: memref<128x128xf32, #tpu.memory_space<vmem>>, %arg7: memref<!tpu.dma_semaphore, #tpu.memory_space<semaphore_mem>>) attributes {dimension_semantics = [#tpu.dimension_semantics<core_parallel>, #tpu.dimension_semantics<subcore_parallel>], iteration_bounds = array<i64: 2, 16>, scalar_prefetch = 0 : i64, scratch_operands = 3 : i64, tpu.core_type = #tpu.core_type<sc_vector_subcore>, window_params = [{transform_indices = #map}, {transform_indices = #map1}, {transform_indices = #map}]} {
    %mul3A = arith.constant 2 : i32
    %mul3A_0 = arith.muli %arg1, %mul3A : i32
    %add3A = arith.addi %mul3A_0, %arg0 : i32
    %mul3A_1 = arith.constant 7680 : i32
    %mul3A_2 = arith.muli %add3A, %mul3A_1 : i32
    %scan3A = arith.constant 0 : i32
    %scan3A_3 = arith.constant 0 : i32
    %scan3A_4 = arith.constant 60 : i32
    %scan3A_5 = arith.addi %scan3A_3, %scan3A_4 : i32
    %scan3A_6 = arith.constant 1 : i32
    %scan3A_7 = scf.for %scan3A_9 = %scan3A_3 to %scan3A_5 step %scan3A_6 iter_args(%scan3A_10 = %scan3A) -> (i32)  : i32 {
      %mul3A_11 = arith.constant 128 : i32
      %mul3A_12 = arith.muli %scan3A_9, %mul3A_11 : i32
      %add3A_13 = arith.addi %mul3A_2, %mul3A_12 : i32
      "tpu.region"() ({
        %run_scoped3A = tpu.sem_alloc : memref<!tpu.dma_semaphore, #tpu.memory_space<semaphore_mem>>
        %dma_start3A_19 = tpu.memref_slice %arg3[%add3A_13] : memref<245760xi32, #tpu.memory_space<hbm>> -> memref<128xi32, #tpu.memory_space<hbm>>
        %dma_start3A_20 = tpu.memref_slice %arg3[%add3A_13] : memref<245760xi32, #tpu.memory_space<hbm>> -> memref<128xi32, #tpu.memory_space<hbm>>
        tpu.enqueue_dma source(%dma_start3A_20 : memref<128xi32, #tpu.memory_space<hbm>>) target(%arg5 : memref<128xi32, #tpu.memory_space<vmem>>) target_semaphore(%run_scoped3A : memref<!tpu.dma_semaphore, #tpu.memory_space<semaphore_mem>>)
        %dma_wait3A_21 = tpu.memref_slice %arg3[%add3A_13] : memref<245760xi32, #tpu.memory_space<hbm>> -> memref<128xi32, #tpu.memory_space<hbm>>
        %dma_wait3A_22 = tpu.memref_slice %arg3[%add3A_13] : memref<245760xi32, #tpu.memory_space<hbm>> -> memref<128xi32, #tpu.memory_space<hbm>>
        tpu.wait_dma2 semaphore(%run_scoped3A : memref<!tpu.dma_semaphore, #tpu.memory_space<semaphore_mem>>) src(%dma_wait3A_22 : memref<128xi32, #tpu.memory_space<hbm>>) dst(%arg5 : memref<128xi32, #tpu.memory_space<vmem>>)
        tpu.yield
      }) : () -> ()
      %dma_start3A = arith.constant 0 : i32
      %dma_start3A_14 = arith.constant 0 : i32
      %dma_start3A_15 = tpu.memref_slice %arg2[%dma_start3A, %dma_start3A_14] : memref<8192x128xf32, #tpu.memory_space<hbm>> -> memref<8192x128xf32, #tpu.memory_space<hbm>>
      tpu.enqueue_indirect_dma source(%dma_start3A_15 : memref<8192x128xf32, #tpu.memory_space<hbm>>) target(%arg6 : memref<128x128xf32, #tpu.memory_space<vmem>>) offsets(%arg5 : memref<128xi32, #tpu.memory_space<vmem>>) semaphore(%arg7 : memref<!tpu.dma_semaphore, #tpu.memory_space<semaphore_mem>>)
      %dma_wait3A = arith.constant 0 : i32
      %dma_wait3A_16 = arith.constant 0 : i32
      %dma_wait3A_17 = tpu.memref_slice %arg2[%dma_wait3A, %dma_wait3A_16] : memref<8192x128xf32, #tpu.memory_space<hbm>> -> memref<8192x128xf32, #tpu.memory_space<hbm>>
      tpu.wait_indirect_dma semaphore(%arg7 : memref<!tpu.dma_semaphore, #tpu.memory_space<semaphore_mem>>) src(%dma_wait3A_17 : memref<8192x128xf32, #tpu.memory_space<hbm>>) dst(%arg6 : memref<128x128xf32, #tpu.memory_space<vmem>>)
      "tpu.region"() ({
        %run_scoped3A = tpu.sem_alloc : memref<!tpu.dma_semaphore, #tpu.memory_space<semaphore_mem>>
        %dma_start3A_19 = arith.constant 0 : i32
        %dma_start3A_20 = tpu.memref_slice %arg4[%add3A_13, %dma_start3A_19] : memref<245760x128xf32, #tpu.memory_space<hbm>> -> memref<128x128xf32, #tpu.memory_space<hbm>>
        %dma_start3A_21 = arith.constant 0 : i32
        %dma_start3A_22 = tpu.memref_slice %arg4[%add3A_13, %dma_start3A_21] : memref<245760x128xf32, #tpu.memory_space<hbm>> -> memref<128x128xf32, #tpu.memory_space<hbm>>
        tpu.enqueue_dma source(%arg6 : memref<128x128xf32, #tpu.memory_space<vmem>>) target(%dma_start3A_22 : memref<128x128xf32, #tpu.memory_space<hbm>>) target_semaphore(%run_scoped3A : memref<!tpu.dma_semaphore, #tpu.memory_space<semaphore_mem>>)
        %dma_wait3A_23 = arith.constant 0 : i32
        %dma_wait3A_24 = tpu.memref_slice %arg4[%add3A_13, %dma_wait3A_23] : memref<245760x128xf32, #tpu.memory_space<hbm>> -> memref<128x128xf32, #tpu.memory_space<hbm>>
        %dma_wait3A_25 = arith.constant 0 : i32
        %dma_wait3A_26 = tpu.memref_slice %arg4[%add3A_13, %dma_wait3A_25] : memref<245760x128xf32, #tpu.memory_space<hbm>> -> memref<128x128xf32, #tpu.memory_space<hbm>>
        tpu.wait_dma2 semaphore(%run_scoped3A : memref<!tpu.dma_semaphore, #tpu.memory_space<semaphore_mem>>) src(%arg6 : memref<128x128xf32, #tpu.memory_space<vmem>>) dst(%dma_wait3A_26 : memref<128x128xf32, #tpu.memory_space<hbm>>)
        tpu.yield
      }) : () -> ()
      %scan3A_18 = arith.constant 0 : i32
      scf.yield %scan3A_18 : i32
    }
    %scan3A_8 = arith.constant 60 : i32
    return
  }
}

module attributes {stable_mosaic.version = 14 : i64} {
  func.func @_edge1_body(%arg0: i32, %arg1: memref<64x128xf32, #tpu.memory_space<vmem>>, %arg2: memref<1920x128xf32, #tpu.memory_space<vmem>>, %arg3: memref<128x64xf32, #tpu.memory_space<vmem>>, %arg4: memref<1x64xf32, #tpu.memory_space<vmem>>, %arg5: memref<1920x64xf32, #tpu.memory_space<vmem>>) attributes {dimension_semantics = [#tpu.dimension_semantics<arbitrary>], iteration_bounds = array<i64: 128>, scalar_prefetch = 0 : i64, scratch_operands = 0 : i64, tpu.core_type = #tpu.core_type<tc>, window_params = [{transform_indices = @transform_0, window_bounds = array<i64: 64, 128>}, {transform_indices = @transform_1, window_bounds = array<i64: 1920, 128>}, {pipeline_mode = #tpu.pipeline_mode<synchronous>, transform_indices = @transform_2, window_bounds = array<i64: 128, 64>}, {pipeline_mode = #tpu.pipeline_mode<synchronous>, transform_indices = @transform_3, window_bounds = array<i64: 1, 64>}, {transform_indices = @transform_4, window_bounds = array<i64: 1920, 64>}]} {
    %get3A = arith.constant 0 : index
    %get3A_0 = arith.constant 0 : index
    %get3A_1 = vector.load %arg1[%get3A, %get3A_0] : memref<64x128xf32, #tpu.memory_space<vmem>>, vector<64x64xf32>
    %broadcast_in_dim3A = vector.shape_cast %get3A_1 : vector<64x64xf32> to vector<64x1x64xf32>
    %broadcast_in_dim3A_2 = vector.shape_cast %broadcast_in_dim3A : vector<64x1x64xf32> to vector<64x1x64xf32>
    %broadcast_in_dim3A_3 = vector.broadcast %broadcast_in_dim3A_2 : vector<64x1x64xf32> to vector<64x30x64xf32>
    %reshape3A = vector.shape_cast %broadcast_in_dim3A_3 : vector<64x30x64xf32> to vector<1920x64xf32>
    %get3A_4 = arith.constant 0 : index
    %get3A_5 = arith.constant 0 : index
    %get3A_6 = vector.load %arg2[%get3A_4, %get3A_5] : memref<1920x128xf32, #tpu.memory_space<vmem>>, vector<1920x64xf32>
    %sub3A = arith.subf %get3A_6, %reshape3A : vector<1920x64xf32>
    %concatenate3A = tpu.concatenate %reshape3A, %sub3A in 1 : vector<1920x64xf32>, vector<1920x64xf32> -> vector<1920x128xf32>
    %convert_element_type3A = arith.truncf %concatenate3A : vector<1920x128xf32> to vector<1920x128xbf16>
    %get3A_7 = arith.constant 0 : index
    %get3A_8 = arith.constant 0 : index
    %get3A_9 = vector.load %arg3[%get3A_7, %get3A_8] : memref<128x64xf32, #tpu.memory_space<vmem>>, vector<128x64xf32>
    %convert_element_type3A_10 = arith.truncf %get3A_9 : vector<128x64xf32> to vector<128x64xbf16>
    %dot_general3A = arith.constant dense<0.000000e+00> : vector<1920x64xf32>
    %dot_general3A_11 = tpu.matmul %convert_element_type3A, %convert_element_type3A_10, %dot_general3A {dimension_numbers = #tpu.dot_dimension_numbers<[1], [0], [0], [1], [0, 0, 1, 1], [], []>, transpose_lhs_hint = false} : vector<1920x128xbf16>, vector<128x64xbf16>, vector<1920x64xf32> -> vector<1920x64xf32>
    %get3A_12 = arith.constant 0 : index
    %get3A_13 = arith.constant 0 : index
    %get3A_14 = vector.load %arg4[%get3A_12, %get3A_13] : memref<1x64xf32, #tpu.memory_space<vmem>>, vector<1x64xf32>
    %add3A = vector.broadcast %get3A_14 : vector<1x64xf32> to vector<1920x64xf32>
    %add3A_15 = arith.addf %dot_general3A_11, %add3A : vector<1920x64xf32>
    %swap3A = arith.constant 0 : index
    %swap3A_16 = arith.constant 0 : index
    %swap3A_17 = vector.load %arg5[%swap3A, %swap3A_16] : memref<1920x64xf32, #tpu.memory_space<vmem>>, vector<1920x64xf32>
    tpu.vector_store %arg5[%swap3A, %swap3A_16], %add3A_15 {strides = array<i32>} : memref<1920x64xf32, #tpu.memory_space<vmem>>, vector<1920x64xf32>,
    return
  }
  func.func @transform_0(%arg0: i32) -> (i32, i32) {
    %c0_i32 = arith.constant 0 : i32
    %c0_i32_0 = arith.constant 0 : i32
    return %arg0, %c0_i32 : i32, i32
  }
  func.func @transform_1(%arg0: i32) -> (i32, i32) {
    %c0_i32 = arith.constant 0 : i32
    %c0_i32_0 = arith.constant 0 : i32
    return %arg0, %c0_i32 : i32, i32
  }
  func.func @transform_2(%arg0: i32) -> (i32, i32) {
    %c0_i32 = arith.constant 0 : i32
    %c0_i32_0 = arith.constant 0 : i32
    %c0_i32_1 = arith.constant 0 : i32
    return %c0_i32, %c0_i32_0 : i32, i32
  }
  func.func @transform_3(%arg0: i32) -> (i32, i32) {
    %c0_i32 = arith.constant 0 : i32
    %c0_i32_0 = arith.constant 0 : i32
    %c0_i32_1 = arith.constant 0 : i32
    return %c0_i32, %c0_i32_0 : i32, i32
  }
  func.func @transform_4(%arg0: i32) -> (i32, i32) {
    %c0_i32 = arith.constant 0 : i32
    %c0_i32_0 = arith.constant 0 : i32
    return %arg0, %c0_i32 : i32, i32
  }
}

module attributes {stable_mosaic.version = 14 : i64} {
  func.func @_knn_body(%arg0: i32, %arg1: memref<64xi32, #tpu.memory_space<smem>>, %arg2: memref<64xi32, #tpu.memory_space<smem>>, %arg3: memref<8192x8xf32, #tpu.memory_space<vmem>>, %arg4: memref<128x1xf32, #tpu.memory_space<vmem>>, %arg5: memref<1x8192xf32, #tpu.memory_space<vmem>>, %arg6: memref<128x1xi32, #tpu.memory_space<vmem>>, %arg7: memref<1x8192xi32, #tpu.memory_space<vmem>>, %arg8: memref<128x32xi32, #tpu.memory_space<vmem>>, %arg9: memref<128x8192xf32, #tpu.memory_space<vmem>>) attributes {dimension_semantics = [#tpu.dimension_semantics<arbitrary>], iteration_bounds = array<i64: 64>, scalar_prefetch = 0 : i64, scratch_operands = 1 : i64, tpu.core_type = #tpu.core_type<tc>, window_params = [{transform_indices = @transform_0, window_bounds = array<i64: 64>}, {transform_indices = @transform_1, window_bounds = array<i64: 64>}, {pipeline_mode = #tpu.pipeline_mode<synchronous>, transform_indices = @transform_2, window_bounds = array<i64: 8192, 8>}, {transform_indices = @transform_3, window_bounds = array<i64: 128, 1>}, {pipeline_mode = #tpu.pipeline_mode<synchronous>, transform_indices = @transform_4, window_bounds = array<i64: 1, 8192>}, {transform_indices = @transform_5, window_bounds = array<i64: 128, 1>}, {pipeline_mode = #tpu.pipeline_mode<synchronous>, transform_indices = @transform_6, window_bounds = array<i64: 1, 8192>}, {transform_indices = @transform_7, window_bounds = array<i64: 128, 32>}]} {
    %get3A = arith.index_cast %arg0 : i32 to index
    %get3A_0 = memref.load %arg1[%get3A] : memref<64xi32, #tpu.memory_space<smem>>
    %get3A_1 = arith.index_cast %arg0 : i32 to index
    %get3A_2 = memref.load %arg2[%get3A_1] : memref<64xi32, #tpu.memory_space<smem>>
    %mul3A = arith.constant 128 : i32
    %mul3A_3 = arith.muli %arg0, %mul3A : i32
    %get3A_4 = arith.index_cast %mul3A_3 : i32 to index
    %get3A_5 = arith.constant 0 : index
    %get3A_6 = vector.load %arg3[%get3A_4, %get3A_5] : memref<8192x8xf32, #tpu.memory_space<vmem>>, vector<128x8xf32>
    %convert_element_type3A = arith.truncf %get3A_6 : vector<128x8xf32> to vector<128x8xbf16>
    %get3A_7 = arith.constant 0 : index
    %get3A_8 = arith.constant 0 : index
    %get3A_9 = vector.load %arg4[%get3A_7, %get3A_8] : memref<128x1xf32, #tpu.memory_space<vmem>>, vector<128x1xf32>
    %get3A_10 = arith.constant 0 : index
    %get3A_11 = arith.constant 0 : index
    %get3A_12 = vector.load %arg6[%get3A_10, %get3A_11] : memref<128x1xi32, #tpu.memory_space<vmem>>, vector<128x1xi32>
    %while3A = arith.constant 0 : i32
    %while3A_13 = arith.subi %get3A_2, %get3A_0 : i32
    %while3A_14 = arith.addi %get3A_0, %while3A_13 : i32
    %while3A_15 = arith.constant 1 : i32
    %while3A_16 = arith.divsi %while3A_13, %while3A_15 : i32
    %while3A_17 = arith.muli %while3A_16, %while3A_15 : i32
    %while3A_18 = arith.addi %get3A_0, %while3A_17 : i32
    %while3A_19 = arith.constant 1 : i32
    %while3A_20 = scf.for %while3A_33 = %get3A_0 to %while3A_18 step %while3A_19 iter_args(%while3A_34 = %while3A) -> (i32)  : i32 {
      %mul3A_35 = arith.constant 512 : i32
      %mul3A_36 = arith.muli %while3A_33, %mul3A_35 : i32
      %get3A_37 = arith.index_cast %mul3A_36 : i32 to index
      %get3A_38 = arith.constant 0 : index
      %get3A_39 = vector.load %arg3[%get3A_37, %get3A_38] : memref<8192x8xf32, #tpu.memory_space<vmem>>, vector<512x8xf32>
      %convert_element_type3A_40 = arith.truncf %get3A_39 : vector<512x8xf32> to vector<512x8xbf16>
      %dot_general3A = arith.constant dense<0.000000e+00> : vector<128x512xf32>
      %dot_general3A_41 = tpu.matmul %convert_element_type3A, %convert_element_type3A_40, %dot_general3A {dimension_numbers = #tpu.dot_dimension_numbers<[1], [1], [0], [0], [0, 0, 1, 0], [], []>, transpose_lhs_hint = false} : vector<128x8xbf16>, vector<512x8xbf16>, vector<128x512xf32> -> vector<128x512xf32>
      %get3A_42 = arith.constant 0 : index
      %get3A_43 = arith.index_cast %mul3A_36 : i32 to index
      %get3A_44 = vector.load %arg5[%get3A_42, %get3A_43] : memref<1x8192xf32, #tpu.memory_space<vmem>>, vector<1x512xf32>
      %add3A = vector.broadcast %get3A_9 : vector<128x1xf32> to vector<128x512xf32>
      %add3A_45 = vector.broadcast %get3A_44 : vector<1x512xf32> to vector<128x512xf32>
      %add3A_46 = arith.addf %add3A, %add3A_45 : vector<128x512xf32>
      %mul3A_47 = arith.constant 2.000000e+00 : f32
      %mul3A_48 = vector.broadcast %mul3A_47 : f32 to vector<128x512xf32>
      %mul3A_49 = arith.mulf %mul3A_48, %dot_general3A_41 : vector<128x512xf32>
      %sub3A = arith.subf %add3A_46, %mul3A_49 : vector<128x512xf32>
      %get3A_50 = arith.constant 0 : index
      %get3A_51 = arith.index_cast %mul3A_36 : i32 to index
      %get3A_52 = vector.load %arg7[%get3A_50, %get3A_51] : memref<1x8192xi32, #tpu.memory_space<vmem>>, vector<1x512xi32>
      %ne3A = vector.broadcast %get3A_12 : vector<128x1xi32> to vector<128x512xi32>
      %ne3A_53 = vector.broadcast %get3A_52 : vector<1x512xi32> to vector<128x512xi32>
      %ne3A_54 = arith.cmpi ne, %ne3A, %ne3A_53 : vector<128x512xi32>
      %jit3A = arith.constant 0x7F800000 : f32
      %broadcast_in_dim3A_55 = vector.broadcast %jit3A : f32 to vector<128x512xf32>
      %select_n3A = arith.select %ne3A_54, %broadcast_in_dim3A_55, %sub3A : vector<128x512xi1>, vector<128x512xf32>
      %swap3A_56 = arith.constant 0 : index
      %swap3A_57 = arith.index_cast %mul3A_36 : i32 to index
      %swap3A_58 = vector.load %arg9[%swap3A_56, %swap3A_57] : memref<128x8192xf32, #tpu.memory_space<vmem>>, vector<128x512xf32>
      tpu.vector_store %arg9[%swap3A_56, %swap3A_57], %select_n3A {strides = array<i32>} : memref<128x8192xf32, #tpu.memory_space<vmem>>, vector<128x512xf32>,
      %while3A_59 = arith.constant 0 : i32
      scf.yield %while3A_59 : i32
    }
    %while3A_21 = arith.constant 1 : i32
    %while3A_22 = scf.for %while3A_33 = %while3A_18 to %while3A_14 step %while3A_21 iter_args(%while3A_34 = %while3A_20) -> (i32)  : i32 {
      %mul3A_35 = arith.constant 512 : i32
      %mul3A_36 = arith.muli %while3A_33, %mul3A_35 : i32
      %get3A_37 = arith.index_cast %mul3A_36 : i32 to index
      %get3A_38 = arith.constant 0 : index
      %get3A_39 = vector.load %arg3[%get3A_37, %get3A_38] : memref<8192x8xf32, #tpu.memory_space<vmem>>, vector<512x8xf32>
      %convert_element_type3A_40 = arith.truncf %get3A_39 : vector<512x8xf32> to vector<512x8xbf16>
      %dot_general3A = arith.constant dense<0.000000e+00> : vector<128x512xf32>
      %dot_general3A_41 = tpu.matmul %convert_element_type3A, %convert_element_type3A_40, %dot_general3A {dimension_numbers = #tpu.dot_dimension_numbers<[1], [1], [0], [0], [0, 0, 1, 0], [], []>, transpose_lhs_hint = false} : vector<128x8xbf16>, vector<512x8xbf16>, vector<128x512xf32> -> vector<128x512xf32>
      %get3A_42 = arith.constant 0 : index
      %get3A_43 = arith.index_cast %mul3A_36 : i32 to index
      %get3A_44 = vector.load %arg5[%get3A_42, %get3A_43] : memref<1x8192xf32, #tpu.memory_space<vmem>>, vector<1x512xf32>
      %add3A = vector.broadcast %get3A_9 : vector<128x1xf32> to vector<128x512xf32>
      %add3A_45 = vector.broadcast %get3A_44 : vector<1x512xf32> to vector<128x512xf32>
      %add3A_46 = arith.addf %add3A, %add3A_45 : vector<128x512xf32>
      %mul3A_47 = arith.constant 2.000000e+00 : f32
      %mul3A_48 = vector.broadcast %mul3A_47 : f32 to vector<128x512xf32>
      %mul3A_49 = arith.mulf %mul3A_48, %dot_general3A_41 : vector<128x512xf32>
      %sub3A = arith.subf %add3A_46, %mul3A_49 : vector<128x512xf32>
      %get3A_50 = arith.constant 0 : index
      %get3A_51 = arith.index_cast %mul3A_36 : i32 to index
      %get3A_52 = vector.load %arg7[%get3A_50, %get3A_51] : memref<1x8192xi32, #tpu.memory_space<vmem>>, vector<1x512xi32>
      %ne3A = vector.broadcast %get3A_12 : vector<128x1xi32> to vector<128x512xi32>
      %ne3A_53 = vector.broadcast %get3A_52 : vector<1x512xi32> to vector<128x512xi32>
      %ne3A_54 = arith.cmpi ne, %ne3A, %ne3A_53 : vector<128x512xi32>
      %jit3A = arith.constant 0x7F800000 : f32
      %broadcast_in_dim3A_55 = vector.broadcast %jit3A : f32 to vector<128x512xf32>
      %select_n3A = arith.select %ne3A_54, %broadcast_in_dim3A_55, %sub3A : vector<128x512xi1>, vector<128x512xf32>
      %swap3A_56 = arith.constant 0 : index
      %swap3A_57 = arith.index_cast %mul3A_36 : i32 to index
      %swap3A_58 = vector.load %arg9[%swap3A_56, %swap3A_57] : memref<128x8192xf32, #tpu.memory_space<vmem>>, vector<128x512xf32>
      tpu.vector_store %arg9[%swap3A_56, %swap3A_57], %select_n3A {strides = array<i32>} : memref<128x8192xf32, #tpu.memory_space<vmem>>, vector<128x512xf32>,
      %while3A_59 = arith.constant 0 : i32
      scf.yield %while3A_59 : i32
    }
    %iota3A = tpu.iota {dimensions = array<i32: 1>} : vector<128x32xi32>
    %broadcast_in_dim3A = arith.constant -1 : i32
    %broadcast_in_dim3A_23 = vector.broadcast %broadcast_in_dim3A : i32 to vector<128x1xi32>
    %broadcast_in_dim3A_24 = arith.constant 0 : i32
    %broadcast_in_dim3A_25 = vector.broadcast %broadcast_in_dim3A_24 : i32 to vector<128x32xi32>
    %scan3A = arith.constant 0 : i32
    %scan3A_26 = arith.constant 30 : i32
    %scan3A_27 = arith.addi %scan3A, %scan3A_26 : i32
    %scan3A_28 = arith.constant 1 : i32
    %scan3A_29:2 = scf.for %scan3A_33 = %scan3A to %scan3A_27 step %scan3A_28 iter_args(%scan3A_34 = %broadcast_in_dim3A_23, %scan3A_35 = %broadcast_in_dim3A_25) -> (vector<128x1xi32>, vector<128x32xi32>)  : i32 {
      %broadcast_in_dim3A_36 = arith.constant 0x7F800000 : f32
      %broadcast_in_dim3A_37 = vector.broadcast %broadcast_in_dim3A_36 : f32 to vector<128x1xf32>
      %broadcast_in_dim3A_38 = arith.constant 0 : i32
      %broadcast_in_dim3A_39 = vector.broadcast %broadcast_in_dim3A_38 : i32 to vector<128x1xi32>
      %while3A_40 = arith.subi %get3A_2, %get3A_0 : i32
      %while3A_41 = arith.addi %get3A_0, %while3A_40 : i32
      %while3A_42 = arith.constant 1 : i32
      %while3A_43 = arith.divsi %while3A_40, %while3A_42 : i32
      %while3A_44 = arith.muli %while3A_43, %while3A_42 : i32
      %while3A_45 = arith.addi %get3A_0, %while3A_44 : i32
      %while3A_46 = arith.constant 1 : i32
      %while3A_47:2 = scf.for %while3A_53 = %get3A_0 to %while3A_45 step %while3A_46 iter_args(%while3A_54 = %broadcast_in_dim3A_37, %while3A_55 = %broadcast_in_dim3A_39) -> (vector<128x1xf32>, vector<128x1xi32>)  : i32 {
        %mul3A_56 = arith.constant 512 : i32
        %mul3A_57 = arith.muli %while3A_53, %mul3A_56 : i32
        %get3A_58 = arith.constant 0 : index
        %get3A_59 = arith.index_cast %mul3A_57 : i32 to index
        %get3A_60 = vector.load %arg9[%get3A_58, %get3A_59] : memref<128x8192xf32, #tpu.memory_space<vmem>>, vector<128x512xf32>
        %iota3A_61 = tpu.iota {dimensions = array<i32: 1>} : vector<128x512xi32>
        %add3A = vector.broadcast %mul3A_57 : i32 to vector<128x512xi32>
        %add3A_62 = arith.addi %iota3A_61, %add3A : vector<128x512xi32>
        %eq3A_63 = vector.broadcast %scan3A_34 : vector<128x1xi32> to vector<128x512xi32>
        %eq3A_64 = arith.cmpi eq, %add3A_62, %eq3A_63 : vector<128x512xi32>
        %jit3A = arith.constant 0x7F800000 : f32
        %broadcast_in_dim3A_65 = vector.broadcast %jit3A : f32 to vector<128x512xf32>
        %select_n3A_66 = arith.select %eq3A_64, %broadcast_in_dim3A_65, %get3A_60 : vector<128x512xi1>, vector<128x512xf32>
        %swap3A_67 = arith.constant 0 : index
        %swap3A_68 = arith.index_cast %mul3A_57 : i32 to index
        %swap3A_69 = vector.load %arg9[%swap3A_67, %swap3A_68] : memref<128x8192xf32, #tpu.memory_space<vmem>>, vector<128x512xf32>
        tpu.vector_store %arg9[%swap3A_67, %swap3A_68], %select_n3A_66 {strides = array<i32>} : memref<128x8192xf32, #tpu.memory_space<vmem>>, vector<128x512xf32>,
        %reduce_min3A = arith.constant dense<0x7F800000> : vector<128xf32>
        %reduce_min3A_70 = vector.multi_reduction <minimumf>, %select_n3A_66, %reduce_min3A [1] : vector<128x512xf32> to vector<128xf32>
        %broadcast_in_dim3A_71 = vector.shape_cast %reduce_min3A_70 : vector<128xf32> to vector<128x1xf32>
        %le3A = vector.broadcast %broadcast_in_dim3A_71 : vector<128x1xf32> to vector<128x512xf32>
        %le3A_72 = arith.cmpf ole, %select_n3A_66, %le3A : vector<128x512xf32>
        %jit3A_73 = arith.constant 1073741824 : i32
        %broadcast_in_dim3A_74 = vector.broadcast %jit3A_73 : i32 to vector<128x512xi32>
        %select_n3A_75 = arith.select %le3A_72, %add3A_62, %broadcast_in_dim3A_74 : vector<128x512xi1>, vector<128x512xi32>
        %reduce_min3A_76 = arith.constant dense<2147483647> : vector<128xi32>
        %reduce_min3A_77 = vector.multi_reduction <minsi>, %select_n3A_75, %reduce_min3A_76 [1] : vector<128x512xi32> to vector<128xi32>
        %broadcast_in_dim3A_78 = vector.shape_cast %reduce_min3A_77 : vector<128xi32> to vector<128x1xi32>
        %lt3A = arith.cmpf olt, %broadcast_in_dim3A_71, %while3A_54 : vector<128x1xf32>
        %select_n3A_79 = arith.select %lt3A, %broadcast_in_dim3A_71, %while3A_54 : vector<128x1xi1>, vector<128x1xf32>
        %select_n3A_80 = arith.select %lt3A, %broadcast_in_dim3A_78, %while3A_55 : vector<128x1xi1>, vector<128x1xi32>
        scf.yield %select_n3A_79, %select_n3A_80 : vector<128x1xf32>, vector<128x1xi32>
      }
      %while3A_48 = arith.constant 1 : i32
      %while3A_49:2 = scf.for %while3A_53 = %while3A_45 to %while3A_41 step %while3A_48 iter_args(%while3A_54 = %while3A_47#0, %while3A_55 = %while3A_47#1) -> (vector<128x1xf32>, vector<128x1xi32>)  : i32 {
        %mul3A_56 = arith.constant 512 : i32
        %mul3A_57 = arith.muli %while3A_53, %mul3A_56 : i32
        %get3A_58 = arith.constant 0 : index
        %get3A_59 = arith.index_cast %mul3A_57 : i32 to index
        %get3A_60 = vector.load %arg9[%get3A_58, %get3A_59] : memref<128x8192xf32, #tpu.memory_space<vmem>>, vector<128x512xf32>
        %iota3A_61 = tpu.iota {dimensions = array<i32: 1>} : vector<128x512xi32>
        %add3A = vector.broadcast %mul3A_57 : i32 to vector<128x512xi32>
        %add3A_62 = arith.addi %iota3A_61, %add3A : vector<128x512xi32>
        %eq3A_63 = vector.broadcast %scan3A_34 : vector<128x1xi32> to vector<128x512xi32>
        %eq3A_64 = arith.cmpi eq, %add3A_62, %eq3A_63 : vector<128x512xi32>
        %jit3A = arith.constant 0x7F800000 : f32
        %broadcast_in_dim3A_65 = vector.broadcast %jit3A : f32 to vector<128x512xf32>
        %select_n3A_66 = arith.select %eq3A_64, %broadcast_in_dim3A_65, %get3A_60 : vector<128x512xi1>, vector<128x512xf32>
        %swap3A_67 = arith.constant 0 : index
        %swap3A_68 = arith.index_cast %mul3A_57 : i32 to index
        %swap3A_69 = vector.load %arg9[%swap3A_67, %swap3A_68] : memref<128x8192xf32, #tpu.memory_space<vmem>>, vector<128x512xf32>
        tpu.vector_store %arg9[%swap3A_67, %swap3A_68], %select_n3A_66 {strides = array<i32>} : memref<128x8192xf32, #tpu.memory_space<vmem>>, vector<128x512xf32>,
        %reduce_min3A = arith.constant dense<0x7F800000> : vector<128xf32>
        %reduce_min3A_70 = vector.multi_reduction <minimumf>, %select_n3A_66, %reduce_min3A [1] : vector<128x512xf32> to vector<128xf32>
        %broadcast_in_dim3A_71 = vector.shape_cast %reduce_min3A_70 : vector<128xf32> to vector<128x1xf32>
        %le3A = vector.broadcast %broadcast_in_dim3A_71 : vector<128x1xf32> to vector<128x512xf32>
        %le3A_72 = arith.cmpf ole, %select_n3A_66, %le3A : vector<128x512xf32>
        %jit3A_73 = arith.constant 1073741824 : i32
        %broadcast_in_dim3A_74 = vector.broadcast %jit3A_73 : i32 to vector<128x512xi32>
        %select_n3A_75 = arith.select %le3A_72, %add3A_62, %broadcast_in_dim3A_74 : vector<128x512xi1>, vector<128x512xi32>
        %reduce_min3A_76 = arith.constant dense<2147483647> : vector<128xi32>
        %reduce_min3A_77 = vector.multi_reduction <minsi>, %select_n3A_75, %reduce_min3A_76 [1] : vector<128x512xi32> to vector<128xi32>
        %broadcast_in_dim3A_78 = vector.shape_cast %reduce_min3A_77 : vector<128xi32> to vector<128x1xi32>
        %lt3A = arith.cmpf olt, %broadcast_in_dim3A_71, %while3A_54 : vector<128x1xf32>
        %select_n3A_79 = arith.select %lt3A, %broadcast_in_dim3A_71, %while3A_54 : vector<128x1xi1>, vector<128x1xf32>
        %select_n3A_80 = arith.select %lt3A, %broadcast_in_dim3A_78, %while3A_55 : vector<128x1xi1>, vector<128x1xi32>
        scf.yield %select_n3A_79, %select_n3A_80 : vector<128x1xf32>, vector<128x1xi32>
      }
      %eq3A = vector.broadcast %scan3A_33 : i32 to vector<128x32xi32>
      %eq3A_50 = arith.cmpi eq, %iota3A, %eq3A : vector<128x32xi32>
      %broadcast_in_dim3A_51 = vector.shape_cast %while3A_49#1 : vector<128x1xi32> to vector<128x1xi32>
      %broadcast_in_dim3A_52 = vector.broadcast %broadcast_in_dim3A_51 : vector<128x1xi32> to vector<128x32xi32>
      %select_n3A = arith.select %eq3A_50, %broadcast_in_dim3A_52, %scan3A_35 : vector<128x32xi1>, vector<128x32xi32>
      scf.yield %while3A_49#1, %select_n3A : vector<128x1xi32>, vector<128x32xi32>
    }
    %scan3A_30 = arith.constant 30 : i32
    %swap3A = arith.constant 0 : index
    %swap3A_31 = arith.constant 0 : index
    %swap3A_32 = vector.load %arg8[%swap3A, %swap3A_31] : memref<128x32xi32, #tpu.memory_space<vmem>>, vector<128x32xi32>
    tpu.vector_store %arg8[%swap3A, %swap3A_31], %scan3A_29#1 {strides = array<i32>} : memref<128x32xi32, #tpu.memory_space<vmem>>, vector<128x32xi32>,
    return
  }
  func.func @transform_0(%arg0: i32) -> i32 {
    %c0_i32 = arith.constant 0 : i32
    %c0_i32_0 = arith.constant 0 : i32
    return %c0_i32 : i32
  }
  func.func @transform_1(%arg0: i32) -> i32 {
    %c0_i32 = arith.constant 0 : i32
    %c0_i32_0 = arith.constant 0 : i32
    return %c0_i32 : i32
  }
  func.func @transform_2(%arg0: i32) -> (i32, i32) {
    %c0_i32 = arith.constant 0 : i32
    %c0_i32_0 = arith.constant 0 : i32
    %c0_i32_1 = arith.constant 0 : i32
    return %c0_i32, %c0_i32_0 : i32, i32
  }
  func.func @transform_3(%arg0: i32) -> (i32, i32) {
    %c0_i32 = arith.constant 0 : i32
    %c0_i32_0 = arith.constant 0 : i32
    return %arg0, %c0_i32 : i32, i32
  }
  func.func @transform_4(%arg0: i32) -> (i32, i32) {
    %c0_i32 = arith.constant 0 : i32
    %c0_i32_0 = arith.constant 0 : i32
    %c0_i32_1 = arith.constant 0 : i32
    return %c0_i32, %c0_i32_0 : i32, i32
  }
  func.func @transform_5(%arg0: i32) -> (i32, i32) {
    %c0_i32 = arith.constant 0 : i32
    %c0_i32_0 = arith.constant 0 : i32
    return %arg0, %c0_i32 : i32, i32
  }
  func.func @transform_6(%arg0: i32) -> (i32, i32) {
    %c0_i32 = arith.constant 0 : i32
    %c0_i32_0 = arith.constant 0 : i32
    %c0_i32_1 = arith.constant 0 : i32
    return %c0_i32, %c0_i32_0 : i32, i32
  }
  func.func @transform_7(%arg0: i32) -> (i32, i32) {
    %c0_i32 = arith.constant 0 : i32
    %c0_i32_0 = arith.constant 0 : i32
    return %arg0, %c0_i32 : i32, i32
  }
}

module attributes {stable_mosaic.version = 14 : i64} {
  func.func @_edge2_body(%arg0: i32, %arg1: memref<1920x64xf32, #tpu.memory_space<vmem>>, %arg2: memref<1x64xf32, #tpu.memory_space<vmem>>, %arg3: memref<1x64xf32, #tpu.memory_space<vmem>>, %arg4: memref<1x64xf32, #tpu.memory_space<vmem>>, %arg5: memref<1x64xf32, #tpu.memory_space<vmem>>, %arg6: memref<64x64xf32, #tpu.memory_space<vmem>>, %arg7: memref<1x64xf32, #tpu.memory_space<vmem>>, %arg8: memref<1920x64xf32, #tpu.memory_space<vmem>>) attributes {dimension_semantics = [#tpu.dimension_semantics<arbitrary>], iteration_bounds = array<i64: 128>, scalar_prefetch = 0 : i64, scratch_operands = 0 : i64, tpu.core_type = #tpu.core_type<tc>, window_params = [{transform_indices = @transform_0, window_bounds = array<i64: 1920, 64>}, {pipeline_mode = #tpu.pipeline_mode<synchronous>, transform_indices = @transform_1, window_bounds = array<i64: 1, 64>}, {pipeline_mode = #tpu.pipeline_mode<synchronous>, transform_indices = @transform_2, window_bounds = array<i64: 1, 64>}, {pipeline_mode = #tpu.pipeline_mode<synchronous>, transform_indices = @transform_3, window_bounds = array<i64: 1, 64>}, {pipeline_mode = #tpu.pipeline_mode<synchronous>, transform_indices = @transform_4, window_bounds = array<i64: 1, 64>}, {pipeline_mode = #tpu.pipeline_mode<synchronous>, transform_indices = @transform_5, window_bounds = array<i64: 64, 64>}, {pipeline_mode = #tpu.pipeline_mode<synchronous>, transform_indices = @transform_6, window_bounds = array<i64: 1, 64>}, {transform_indices = @transform_7, window_bounds = array<i64: 1920, 64>}]} {
    %get3A = arith.constant 0 : index
    %get3A_0 = arith.constant 0 : index
    %get3A_1 = vector.load %arg1[%get3A, %get3A_0] : memref<1920x64xf32, #tpu.memory_space<vmem>>, vector<1920x64xf32>
    %max3A = arith.constant 0.000000e+00 : f32
    %max3A_2 = vector.broadcast %max3A : f32 to vector<1920x64xf32>
    %max3A_3 = arith.maximumf %get3A_1, %max3A_2 : vector<1920x64xf32>
    %get3A_4 = arith.constant 0 : index
    %get3A_5 = arith.constant 0 : index
    %get3A_6 = vector.load %arg4[%get3A_4, %get3A_5] : memref<1x64xf32, #tpu.memory_space<vmem>>, vector<1x64xf32>
    %get3A_7 = arith.constant 0 : index
    %get3A_8 = arith.constant 0 : index
    %get3A_9 = vector.load %arg2[%get3A_7, %get3A_8] : memref<1x64xf32, #tpu.memory_space<vmem>>, vector<1x64xf32>
    %sub3A = vector.broadcast %get3A_9 : vector<1x64xf32> to vector<1920x64xf32>
    %sub3A_10 = arith.subf %max3A_3, %sub3A : vector<1920x64xf32>
    %mul3A = vector.broadcast %get3A_6 : vector<1x64xf32> to vector<1920x64xf32>
    %mul3A_11 = arith.mulf %mul3A, %sub3A_10 : vector<1920x64xf32>
    %get3A_12 = arith.constant 0 : index
    %get3A_13 = arith.constant 0 : index
    %get3A_14 = vector.load %arg3[%get3A_12, %get3A_13] : memref<1x64xf32, #tpu.memory_space<vmem>>, vector<1x64xf32>
    %div3A = vector.broadcast %get3A_14 : vector<1x64xf32> to vector<1920x64xf32>
    %div3A_15 = arith.divf %mul3A_11, %div3A : vector<1920x64xf32>
    %get3A_16 = arith.constant 0 : index
    %get3A_17 = arith.constant 0 : index
    %get3A_18 = vector.load %arg5[%get3A_16, %get3A_17] : memref<1x64xf32, #tpu.memory_space<vmem>>, vector<1x64xf32>
    %add3A = vector.broadcast %get3A_18 : vector<1x64xf32> to vector<1920x64xf32>
    %add3A_19 = arith.addf %div3A_15, %add3A : vector<1920x64xf32>
    %convert_element_type3A = arith.truncf %add3A_19 : vector<1920x64xf32> to vector<1920x64xbf16>
    %get3A_20 = arith.constant 0 : index
    %get3A_21 = arith.constant 0 : index
    %get3A_22 = vector.load %arg6[%get3A_20, %get3A_21] : memref<64x64xf32, #tpu.memory_space<vmem>>, vector<64x64xf32>
    %convert_element_type3A_23 = arith.truncf %get3A_22 : vector<64x64xf32> to vector<64x64xbf16>
    %dot_general3A = arith.constant dense<0.000000e+00> : vector<1920x64xf32>
    %dot_general3A_24 = tpu.matmul %convert_element_type3A, %convert_element_type3A_23, %dot_general3A {dimension_numbers = #tpu.dot_dimension_numbers<[1], [0], [0], [1], [0, 0, 1, 1], [], []>, transpose_lhs_hint = false} : vector<1920x64xbf16>, vector<64x64xbf16>, vector<1920x64xf32> -> vector<1920x64xf32>
    %get3A_25 = arith.constant 0 : index
    %get3A_26 = arith.constant 0 : index
    %get3A_27 = vector.load %arg7[%get3A_25, %get3A_26] : memref<1x64xf32, #tpu.memory_space<vmem>>, vector<1x64xf32>
    %add3A_28 = vector.broadcast %get3A_27 : vector<1x64xf32> to vector<1920x64xf32>
    %add3A_29 = arith.addf %dot_general3A_24, %add3A_28 : vector<1920x64xf32>
    %swap3A = arith.constant 0 : index
    %swap3A_30 = arith.constant 0 : index
    %swap3A_31 = vector.load %arg8[%swap3A, %swap3A_30] : memref<1920x64xf32, #tpu.memory_space<vmem>>, vector<1920x64xf32>
    tpu.vector_store %arg8[%swap3A, %swap3A_30], %add3A_29 {strides = array<i32>} : memref<1920x64xf32, #tpu.memory_space<vmem>>, vector<1920x64xf32>,
    return
  }
  func.func @transform_0(%arg0: i32) -> (i32, i32) {
    %c0_i32 = arith.constant 0 : i32
    %c0_i32_0 = arith.constant 0 : i32
    return %arg0, %c0_i32 : i32, i32
  }
  func.func @transform_1(%arg0: i32) -> (i32, i32) {
    %c0_i32 = arith.constant 0 : i32
    %c0_i32_0 = arith.constant 0 : i32
    %c0_i32_1 = arith.constant 0 : i32
    return %c0_i32, %c0_i32_0 : i32, i32
  }
  func.func @transform_2(%arg0: i32) -> (i32, i32) {
    %c0_i32 = arith.constant 0 : i32
    %c0_i32_0 = arith.constant 0 : i32
    %c0_i32_1 = arith.constant 0 : i32
    return %c0_i32, %c0_i32_0 : i32, i32
  }
  func.func @transform_3(%arg0: i32) -> (i32, i32) {
    %c0_i32 = arith.constant 0 : i32
    %c0_i32_0 = arith.constant 0 : i32
    %c0_i32_1 = arith.constant 0 : i32
    return %c0_i32, %c0_i32_0 : i32, i32
  }
  func.func @transform_4(%arg0: i32) -> (i32, i32) {
    %c0_i32 = arith.constant 0 : i32
    %c0_i32_0 = arith.constant 0 : i32
    %c0_i32_1 = arith.constant 0 : i32
    return %c0_i32, %c0_i32_0 : i32, i32
  }
  func.func @transform_5(%arg0: i32) -> (i32, i32) {
    %c0_i32 = arith.constant 0 : i32
    %c0_i32_0 = arith.constant 0 : i32
    %c0_i32_1 = arith.constant 0 : i32
    return %c0_i32, %c0_i32_0 : i32, i32
  }
  func.func @transform_6(%arg0: i32) -> (i32, i32) {
    %c0_i32 = arith.constant 0 : i32
    %c0_i32_0 = arith.constant 0 : i32
    %c0_i32_1 = arith.constant 0 : i32
    return %c0_i32, %c0_i32_0 : i32, i32
  }
  func.func @transform_7(%arg0: i32) -> (i32, i32) {
    %c0_i32 = arith.constant 0 : i32
    %c0_i32_0 = arith.constant 0 : i32
    return %arg0, %c0_i32 : i32, i32
  }
}

module attributes {stable_mosaic.version = 14 : i64} {
  func.func @_bnmax_body(%arg0: i32, %arg1: memref<1920x64xf32, #tpu.memory_space<vmem>>, %arg2: memref<1x64xf32, #tpu.memory_space<vmem>>, %arg3: memref<1x64xf32, #tpu.memory_space<vmem>>, %arg4: memref<1x64xf32, #tpu.memory_space<vmem>>, %arg5: memref<1x64xf32, #tpu.memory_space<vmem>>, %arg6: memref<64x64xf32, #tpu.memory_space<vmem>>) attributes {dimension_semantics = [#tpu.dimension_semantics<arbitrary>], iteration_bounds = array<i64: 128>, scalar_prefetch = 0 : i64, scratch_operands = 0 : i64, tpu.core_type = #tpu.core_type<tc>, window_params = [{transform_indices = @transform_0, window_bounds = array<i64: 1920, 64>}, {pipeline_mode = #tpu.pipeline_mode<synchronous>, transform_indices = @transform_1, window_bounds = array<i64: 1, 64>}, {pipeline_mode = #tpu.pipeline_mode<synchronous>, transform_indices = @transform_2, window_bounds = array<i64: 1, 64>}, {pipeline_mode = #tpu.pipeline_mode<synchronous>, transform_indices = @transform_3, window_bounds = array<i64: 1, 64>}, {pipeline_mode = #tpu.pipeline_mode<synchronous>, transform_indices = @transform_4, window_bounds = array<i64: 1, 64>}, {transform_indices = @transform_5, window_bounds = array<i64: 64, 64>}]} {
    %get3A = arith.constant 0 : index
    %get3A_0 = arith.constant 0 : index
    %get3A_1 = vector.load %arg1[%get3A, %get3A_0] : memref<1920x64xf32, #tpu.memory_space<vmem>>, vector<1920x64xf32>
    %max3A = arith.constant 0.000000e+00 : f32
    %max3A_2 = vector.broadcast %max3A : f32 to vector<1920x64xf32>
    %max3A_3 = arith.maximumf %get3A_1, %max3A_2 : vector<1920x64xf32>
    %get3A_4 = arith.constant 0 : index
    %get3A_5 = arith.constant 0 : index
    %get3A_6 = vector.load %arg4[%get3A_4, %get3A_5] : memref<1x64xf32, #tpu.memory_space<vmem>>, vector<1x64xf32>
    %get3A_7 = arith.constant 0 : index
    %get3A_8 = arith.constant 0 : index
    %get3A_9 = vector.load %arg2[%get3A_7, %get3A_8] : memref<1x64xf32, #tpu.memory_space<vmem>>, vector<1x64xf32>
    %sub3A = vector.broadcast %get3A_9 : vector<1x64xf32> to vector<1920x64xf32>
    %sub3A_10 = arith.subf %max3A_3, %sub3A : vector<1920x64xf32>
    %mul3A = vector.broadcast %get3A_6 : vector<1x64xf32> to vector<1920x64xf32>
    %mul3A_11 = arith.mulf %mul3A, %sub3A_10 : vector<1920x64xf32>
    %get3A_12 = arith.constant 0 : index
    %get3A_13 = arith.constant 0 : index
    %get3A_14 = vector.load %arg3[%get3A_12, %get3A_13] : memref<1x64xf32, #tpu.memory_space<vmem>>, vector<1x64xf32>
    %div3A = vector.broadcast %get3A_14 : vector<1x64xf32> to vector<1920x64xf32>
    %div3A_15 = arith.divf %mul3A_11, %div3A : vector<1920x64xf32>
    %get3A_16 = arith.constant 0 : index
    %get3A_17 = arith.constant 0 : index
    %get3A_18 = vector.load %arg5[%get3A_16, %get3A_17] : memref<1x64xf32, #tpu.memory_space<vmem>>, vector<1x64xf32>
    %add3A = vector.broadcast %get3A_18 : vector<1x64xf32> to vector<1920x64xf32>
    %add3A_19 = arith.addf %div3A_15, %add3A : vector<1920x64xf32>
    %reshape3A = vector.shape_cast %add3A_19 : vector<1920x64xf32> to vector<64x30x64xf32>
    %reduce_max3A = arith.constant dense<0xFF800000> : vector<64x64xf32>
    %reduce_max3A_20 = vector.multi_reduction <maximumf>, %reshape3A, %reduce_max3A [1] : vector<64x30x64xf32> to vector<64x64xf32>
    %swap3A = arith.constant 0 : index
    %swap3A_21 = arith.constant 0 : index
    %swap3A_22 = vector.load %arg6[%swap3A, %swap3A_21] : memref<64x64xf32, #tpu.memory_space<vmem>>, vector<64x64xf32>
    tpu.vector_store %arg6[%swap3A, %swap3A_21], %reduce_max3A_20 {strides = array<i32>} : memref<64x64xf32, #tpu.memory_space<vmem>>, vector<64x64xf32>,
    return
  }
  func.func @transform_0(%arg0: i32) -> (i32, i32) {
    %c0_i32 = arith.constant 0 : i32
    %c0_i32_0 = arith.constant 0 : i32
    return %arg0, %c0_i32 : i32, i32
  }
  func.func @transform_1(%arg0: i32) -> (i32, i32) {
    %c0_i32 = arith.constant 0 : i32
    %c0_i32_0 = arith.constant 0 : i32
    %c0_i32_1 = arith.constant 0 : i32
    return %c0_i32, %c0_i32_0 : i32, i32
  }
  func.func @transform_2(%arg0: i32) -> (i32, i32) {
    %c0_i32 = arith.constant 0 : i32
    %c0_i32_0 = arith.constant 0 : i32
    %c0_i32_1 = arith.constant 0 : i32
    return %c0_i32, %c0_i32_0 : i32, i32
  }
  func.func @transform_3(%arg0: i32) -> (i32, i32) {
    %c0_i32 = arith.constant 0 : i32
    %c0_i32_0 = arith.constant 0 : i32
    %c0_i32_1 = arith.constant 0 : i32
    return %c0_i32, %c0_i32_0 : i32, i32
  }
  func.func @transform_4(%arg0: i32) -> (i32, i32) {
    %c0_i32 = arith.constant 0 : i32
    %c0_i32_0 = arith.constant 0 : i32
    %c0_i32_1 = arith.constant 0 : i32
    return %c0_i32, %c0_i32_0 : i32, i32
  }
  func.func @transform_5(%arg0: i32) -> (i32, i32) {
    %c0_i32 = arith.constant 0 : i32
    %c0_i32_0 = arith.constant 0 : i32
    return %arg0, %c0_i32 : i32, i32
  }
}

module attributes {stable_mosaic.version = 14 : i64} {
  func.func @_knn_body(%arg0: i32, %arg1: memref<64xi32, #tpu.memory_space<smem>>, %arg2: memref<64xi32, #tpu.memory_space<smem>>, %arg3: memref<8192x64xf32, #tpu.memory_space<vmem>>, %arg4: memref<128x1xf32, #tpu.memory_space<vmem>>, %arg5: memref<1x8192xf32, #tpu.memory_space<vmem>>, %arg6: memref<128x1xi32, #tpu.memory_space<vmem>>, %arg7: memref<1x8192xi32, #tpu.memory_space<vmem>>, %arg8: memref<128x32xi32, #tpu.memory_space<vmem>>, %arg9: memref<128x8192xf32, #tpu.memory_space<vmem>>) attributes {dimension_semantics = [#tpu.dimension_semantics<arbitrary>], iteration_bounds = array<i64: 64>, scalar_prefetch = 0 : i64, scratch_operands = 1 : i64, tpu.core_type = #tpu.core_type<tc>, window_params = [{transform_indices = @transform_0, window_bounds = array<i64: 64>}, {transform_indices = @transform_1, window_bounds = array<i64: 64>}, {pipeline_mode = #tpu.pipeline_mode<synchronous>, transform_indices = @transform_2, window_bounds = array<i64: 8192, 64>}, {transform_indices = @transform_3, window_bounds = array<i64: 128, 1>}, {pipeline_mode = #tpu.pipeline_mode<synchronous>, transform_indices = @transform_4, window_bounds = array<i64: 1, 8192>}, {transform_indices = @transform_5, window_bounds = array<i64: 128, 1>}, {pipeline_mode = #tpu.pipeline_mode<synchronous>, transform_indices = @transform_6, window_bounds = array<i64: 1, 8192>}, {transform_indices = @transform_7, window_bounds = array<i64: 128, 32>}]} {
    %get3A = arith.index_cast %arg0 : i32 to index
    %get3A_0 = memref.load %arg1[%get3A] : memref<64xi32, #tpu.memory_space<smem>>
    %get3A_1 = arith.index_cast %arg0 : i32 to index
    %get3A_2 = memref.load %arg2[%get3A_1] : memref<64xi32, #tpu.memory_space<smem>>
    %mul3A = arith.constant 128 : i32
    %mul3A_3 = arith.muli %arg0, %mul3A : i32
    %get3A_4 = arith.index_cast %mul3A_3 : i32 to index
    %get3A_5 = arith.constant 0 : index
    %get3A_6 = vector.load %arg3[%get3A_4, %get3A_5] : memref<8192x64xf32, #tpu.memory_space<vmem>>, vector<128x64xf32>
    %convert_element_type3A = arith.truncf %get3A_6 : vector<128x64xf32> to vector<128x64xbf16>
    %get3A_7 = arith.constant 0 : index
    %get3A_8 = arith.constant 0 : index
    %get3A_9 = vector.load %arg4[%get3A_7, %get3A_8] : memref<128x1xf32, #tpu.memory_space<vmem>>, vector<128x1xf32>
    %get3A_10 = arith.constant 0 : index
    %get3A_11 = arith.constant 0 : index
    %get3A_12 = vector.load %arg6[%get3A_10, %get3A_11] : memref<128x1xi32, #tpu.memory_space<vmem>>, vector<128x1xi32>
    %while3A = arith.constant 0 : i32
    %while3A_13 = arith.subi %get3A_2, %get3A_0 : i32
    %while3A_14 = arith.addi %get3A_0, %while3A_13 : i32
    %while3A_15 = arith.constant 1 : i32
    %while3A_16 = arith.divsi %while3A_13, %while3A_15 : i32
    %while3A_17 = arith.muli %while3A_16, %while3A_15 : i32
    %while3A_18 = arith.addi %get3A_0, %while3A_17 : i32
    %while3A_19 = arith.constant 1 : i32
    %while3A_20 = scf.for %while3A_33 = %get3A_0 to %while3A_18 step %while3A_19 iter_args(%while3A_34 = %while3A) -> (i32)  : i32 {
      %mul3A_35 = arith.constant 512 : i32
      %mul3A_36 = arith.muli %while3A_33, %mul3A_35 : i32
      %get3A_37 = arith.index_cast %mul3A_36 : i32 to index
      %get3A_38 = arith.constant 0 : index
      %get3A_39 = vector.load %arg3[%get3A_37, %get3A_38] : memref<8192x64xf32, #tpu.memory_space<vmem>>, vector<512x64xf32>
      %convert_element_type3A_40 = arith.truncf %get3A_39 : vector<512x64xf32> to vector<512x64xbf16>
      %dot_general3A = arith.constant dense<0.000000e+00> : vector<128x512xf32>
      %dot_general3A_41 = tpu.matmul %convert_element_type3A, %convert_element_type3A_40, %dot_general3A {dimension_numbers = #tpu.dot_dimension_numbers<[1], [1], [0], [0], [0, 0, 1, 0], [], []>, transpose_lhs_hint = false} : vector<128x64xbf16>, vector<512x64xbf16>, vector<128x512xf32> -> vector<128x512xf32>
      %get3A_42 = arith.constant 0 : index
      %get3A_43 = arith.index_cast %mul3A_36 : i32 to index
      %get3A_44 = vector.load %arg5[%get3A_42, %get3A_43] : memref<1x8192xf32, #tpu.memory_space<vmem>>, vector<1x512xf32>
      %add3A = vector.broadcast %get3A_9 : vector<128x1xf32> to vector<128x512xf32>
      %add3A_45 = vector.broadcast %get3A_44 : vector<1x512xf32> to vector<128x512xf32>
      %add3A_46 = arith.addf %add3A, %add3A_45 : vector<128x512xf32>
      %mul3A_47 = arith.constant 2.000000e+00 : f32
      %mul3A_48 = vector.broadcast %mul3A_47 : f32 to vector<128x512xf32>
      %mul3A_49 = arith.mulf %mul3A_48, %dot_general3A_41 : vector<128x512xf32>
      %sub3A = arith.subf %add3A_46, %mul3A_49 : vector<128x512xf32>
      %get3A_50 = arith.constant 0 : index
      %get3A_51 = arith.index_cast %mul3A_36 : i32 to index
      %get3A_52 = vector.load %arg7[%get3A_50, %get3A_51] : memref<1x8192xi32, #tpu.memory_space<vmem>>, vector<1x512xi32>
      %ne3A = vector.broadcast %get3A_12 : vector<128x1xi32> to vector<128x512xi32>
      %ne3A_53 = vector.broadcast %get3A_52 : vector<1x512xi32> to vector<128x512xi32>
      %ne3A_54 = arith.cmpi ne, %ne3A, %ne3A_53 : vector<128x512xi32>
      %jit3A = arith.constant 0x7F800000 : f32
      %broadcast_in_dim3A_55 = vector.broadcast %jit3A : f32 to vector<128x512xf32>
      %select_n3A = arith.select %ne3A_54, %broadcast_in_dim3A_55, %sub3A : vector<128x512xi1>, vector<128x512xf32>
      %swap3A_56 = arith.constant 0 : index
      %swap3A_57 = arith.index_cast %mul3A_36 : i32 to index
      %swap3A_58 = vector.load %arg9[%swap3A_56, %swap3A_57] : memref<128x8192xf32, #tpu.memory_space<vmem>>, vector<128x512xf32>
      tpu.vector_store %arg9[%swap3A_56, %swap3A_57], %select_n3A {strides = array<i32>} : memref<128x8192xf32, #tpu.memory_space<vmem>>, vector<128x512xf32>,
      %while3A_59 = arith.constant 0 : i32
      scf.yield %while3A_59 : i32
    }
    %while3A_21 = arith.constant 1 : i32
    %while3A_22 = scf.for %while3A_33 = %while3A_18 to %while3A_14 step %while3A_21 iter_args(%while3A_34 = %while3A_20) -> (i32)  : i32 {
      %mul3A_35 = arith.constant 512 : i32
      %mul3A_36 = arith.muli %while3A_33, %mul3A_35 : i32
      %get3A_37 = arith.index_cast %mul3A_36 : i32 to index
      %get3A_38 = arith.constant 0 : index
      %get3A_39 = vector.load %arg3[%get3A_37, %get3A_38] : memref<8192x64xf32, #tpu.memory_space<vmem>>, vector<512x64xf32>
      %convert_element_type3A_40 = arith.truncf %get3A_39 : vector<512x64xf32> to vector<512x64xbf16>
      %dot_general3A = arith.constant dense<0.000000e+00> : vector<128x512xf32>
      %dot_general3A_41 = tpu.matmul %convert_element_type3A, %convert_element_type3A_40, %dot_general3A {dimension_numbers = #tpu.dot_dimension_numbers<[1], [1], [0], [0], [0, 0, 1, 0], [], []>, transpose_lhs_hint = false} : vector<128x64xbf16>, vector<512x64xbf16>, vector<128x512xf32> -> vector<128x512xf32>
      %get3A_42 = arith.constant 0 : index
      %get3A_43 = arith.index_cast %mul3A_36 : i32 to index
      %get3A_44 = vector.load %arg5[%get3A_42, %get3A_43] : memref<1x8192xf32, #tpu.memory_space<vmem>>, vector<1x512xf32>
      %add3A = vector.broadcast %get3A_9 : vector<128x1xf32> to vector<128x512xf32>
      %add3A_45 = vector.broadcast %get3A_44 : vector<1x512xf32> to vector<128x512xf32>
      %add3A_46 = arith.addf %add3A, %add3A_45 : vector<128x512xf32>
      %mul3A_47 = arith.constant 2.000000e+00 : f32
      %mul3A_48 = vector.broadcast %mul3A_47 : f32 to vector<128x512xf32>
      %mul3A_49 = arith.mulf %mul3A_48, %dot_general3A_41 : vector<128x512xf32>
      %sub3A = arith.subf %add3A_46, %mul3A_49 : vector<128x512xf32>
      %get3A_50 = arith.constant 0 : index
      %get3A_51 = arith.index_cast %mul3A_36 : i32 to index
      %get3A_52 = vector.load %arg7[%get3A_50, %get3A_51] : memref<1x8192xi32, #tpu.memory_space<vmem>>, vector<1x512xi32>
      %ne3A = vector.broadcast %get3A_12 : vector<128x1xi32> to vector<128x512xi32>
      %ne3A_53 = vector.broadcast %get3A_52 : vector<1x512xi32> to vector<128x512xi32>
      %ne3A_54 = arith.cmpi ne, %ne3A, %ne3A_53 : vector<128x512xi32>
      %jit3A = arith.constant 0x7F800000 : f32
      %broadcast_in_dim3A_55 = vector.broadcast %jit3A : f32 to vector<128x512xf32>
      %select_n3A = arith.select %ne3A_54, %broadcast_in_dim3A_55, %sub3A : vector<128x512xi1>, vector<128x512xf32>
      %swap3A_56 = arith.constant 0 : index
      %swap3A_57 = arith.index_cast %mul3A_36 : i32 to index
      %swap3A_58 = vector.load %arg9[%swap3A_56, %swap3A_57] : memref<128x8192xf32, #tpu.memory_space<vmem>>, vector<128x512xf32>
      tpu.vector_store %arg9[%swap3A_56, %swap3A_57], %select_n3A {strides = array<i32>} : memref<128x8192xf32, #tpu.memory_space<vmem>>, vector<128x512xf32>,
      %while3A_59 = arith.constant 0 : i32
      scf.yield %while3A_59 : i32
    }
    %iota3A = tpu.iota {dimensions = array<i32: 1>} : vector<128x32xi32>
    %broadcast_in_dim3A = arith.constant -1 : i32
    %broadcast_in_dim3A_23 = vector.broadcast %broadcast_in_dim3A : i32 to vector<128x1xi32>
    %broadcast_in_dim3A_24 = arith.constant 0 : i32
    %broadcast_in_dim3A_25 = vector.broadcast %broadcast_in_dim3A_24 : i32 to vector<128x32xi32>
    %scan3A = arith.constant 0 : i32
    %scan3A_26 = arith.constant 30 : i32
    %scan3A_27 = arith.addi %scan3A, %scan3A_26 : i32
    %scan3A_28 = arith.constant 1 : i32
    %scan3A_29:2 = scf.for %scan3A_33 = %scan3A to %scan3A_27 step %scan3A_28 iter_args(%scan3A_34 = %broadcast_in_dim3A_23, %scan3A_35 = %broadcast_in_dim3A_25) -> (vector<128x1xi32>, vector<128x32xi32>)  : i32 {
      %broadcast_in_dim3A_36 = arith.constant 0x7F800000 : f32
      %broadcast_in_dim3A_37 = vector.broadcast %broadcast_in_dim3A_36 : f32 to vector<128x1xf32>
      %broadcast_in_dim3A_38 = arith.constant 0 : i32
      %broadcast_in_dim3A_39 = vector.broadcast %broadcast_in_dim3A_38 : i32 to vector<128x1xi32>
      %while3A_40 = arith.subi %get3A_2, %get3A_0 : i32
      %while3A_41 = arith.addi %get3A_0, %while3A_40 : i32
      %while3A_42 = arith.constant 1 : i32
      %while3A_43 = arith.divsi %while3A_40, %while3A_42 : i32
      %while3A_44 = arith.muli %while3A_43, %while3A_42 : i32
      %while3A_45 = arith.addi %get3A_0, %while3A_44 : i32
      %while3A_46 = arith.constant 1 : i32
      %while3A_47:2 = scf.for %while3A_53 = %get3A_0 to %while3A_45 step %while3A_46 iter_args(%while3A_54 = %broadcast_in_dim3A_37, %while3A_55 = %broadcast_in_dim3A_39) -> (vector<128x1xf32>, vector<128x1xi32>)  : i32 {
        %mul3A_56 = arith.constant 512 : i32
        %mul3A_57 = arith.muli %while3A_53, %mul3A_56 : i32
        %get3A_58 = arith.constant 0 : index
        %get3A_59 = arith.index_cast %mul3A_57 : i32 to index
        %get3A_60 = vector.load %arg9[%get3A_58, %get3A_59] : memref<128x8192xf32, #tpu.memory_space<vmem>>, vector<128x512xf32>
        %iota3A_61 = tpu.iota {dimensions = array<i32: 1>} : vector<128x512xi32>
        %add3A = vector.broadcast %mul3A_57 : i32 to vector<128x512xi32>
        %add3A_62 = arith.addi %iota3A_61, %add3A : vector<128x512xi32>
        %eq3A_63 = vector.broadcast %scan3A_34 : vector<128x1xi32> to vector<128x512xi32>
        %eq3A_64 = arith.cmpi eq, %add3A_62, %eq3A_63 : vector<128x512xi32>
        %jit3A = arith.constant 0x7F800000 : f32
        %broadcast_in_dim3A_65 = vector.broadcast %jit3A : f32 to vector<128x512xf32>
        %select_n3A_66 = arith.select %eq3A_64, %broadcast_in_dim3A_65, %get3A_60 : vector<128x512xi1>, vector<128x512xf32>
        %swap3A_67 = arith.constant 0 : index
        %swap3A_68 = arith.index_cast %mul3A_57 : i32 to index
        %swap3A_69 = vector.load %arg9[%swap3A_67, %swap3A_68] : memref<128x8192xf32, #tpu.memory_space<vmem>>, vector<128x512xf32>
        tpu.vector_store %arg9[%swap3A_67, %swap3A_68], %select_n3A_66 {strides = array<i32>} : memref<128x8192xf32, #tpu.memory_space<vmem>>, vector<128x512xf32>,
        %reduce_min3A = arith.constant dense<0x7F800000> : vector<128xf32>
        %reduce_min3A_70 = vector.multi_reduction <minimumf>, %select_n3A_66, %reduce_min3A [1] : vector<128x512xf32> to vector<128xf32>
        %broadcast_in_dim3A_71 = vector.shape_cast %reduce_min3A_70 : vector<128xf32> to vector<128x1xf32>
        %le3A = vector.broadcast %broadcast_in_dim3A_71 : vector<128x1xf32> to vector<128x512xf32>
        %le3A_72 = arith.cmpf ole, %select_n3A_66, %le3A : vector<128x512xf32>
        %jit3A_73 = arith.constant 1073741824 : i32
        %broadcast_in_dim3A_74 = vector.broadcast %jit3A_73 : i32 to vector<128x512xi32>
        %select_n3A_75 = arith.select %le3A_72, %add3A_62, %broadcast_in_dim3A_74 : vector<128x512xi1>, vector<128x512xi32>
        %reduce_min3A_76 = arith.constant dense<2147483647> : vector<128xi32>
        %reduce_min3A_77 = vector.multi_reduction <minsi>, %select_n3A_75, %reduce_min3A_76 [1] : vector<128x512xi32> to vector<128xi32>
        %broadcast_in_dim3A_78 = vector.shape_cast %reduce_min3A_77 : vector<128xi32> to vector<128x1xi32>
        %lt3A = arith.cmpf olt, %broadcast_in_dim3A_71, %while3A_54 : vector<128x1xf32>
        %select_n3A_79 = arith.select %lt3A, %broadcast_in_dim3A_71, %while3A_54 : vector<128x1xi1>, vector<128x1xf32>
        %select_n3A_80 = arith.select %lt3A, %broadcast_in_dim3A_78, %while3A_55 : vector<128x1xi1>, vector<128x1xi32>
        scf.yield %select_n3A_79, %select_n3A_80 : vector<128x1xf32>, vector<128x1xi32>
      }
      %while3A_48 = arith.constant 1 : i32
      %while3A_49:2 = scf.for %while3A_53 = %while3A_45 to %while3A_41 step %while3A_48 iter_args(%while3A_54 = %while3A_47#0, %while3A_55 = %while3A_47#1) -> (vector<128x1xf32>, vector<128x1xi32>)  : i32 {
        %mul3A_56 = arith.constant 512 : i32
        %mul3A_57 = arith.muli %while3A_53, %mul3A_56 : i32
        %get3A_58 = arith.constant 0 : index
        %get3A_59 = arith.index_cast %mul3A_57 : i32 to index
        %get3A_60 = vector.load %arg9[%get3A_58, %get3A_59] : memref<128x8192xf32, #tpu.memory_space<vmem>>, vector<128x512xf32>
        %iota3A_61 = tpu.iota {dimensions = array<i32: 1>} : vector<128x512xi32>
        %add3A = vector.broadcast %mul3A_57 : i32 to vector<128x512xi32>
        %add3A_62 = arith.addi %iota3A_61, %add3A : vector<128x512xi32>
        %eq3A_63 = vector.broadcast %scan3A_34 : vector<128x1xi32> to vector<128x512xi32>
        %eq3A_64 = arith.cmpi eq, %add3A_62, %eq3A_63 : vector<128x512xi32>
        %jit3A = arith.constant 0x7F800000 : f32
        %broadcast_in_dim3A_65 = vector.broadcast %jit3A : f32 to vector<128x512xf32>
        %select_n3A_66 = arith.select %eq3A_64, %broadcast_in_dim3A_65, %get3A_60 : vector<128x512xi1>, vector<128x512xf32>
        %swap3A_67 = arith.constant 0 : index
        %swap3A_68 = arith.index_cast %mul3A_57 : i32 to index
        %swap3A_69 = vector.load %arg9[%swap3A_67, %swap3A_68] : memref<128x8192xf32, #tpu.memory_space<vmem>>, vector<128x512xf32>
        tpu.vector_store %arg9[%swap3A_67, %swap3A_68], %select_n3A_66 {strides = array<i32>} : memref<128x8192xf32, #tpu.memory_space<vmem>>, vector<128x512xf32>,
        %reduce_min3A = arith.constant dense<0x7F800000> : vector<128xf32>
        %reduce_min3A_70 = vector.multi_reduction <minimumf>, %select_n3A_66, %reduce_min3A [1] : vector<128x512xf32> to vector<128xf32>
        %broadcast_in_dim3A_71 = vector.shape_cast %reduce_min3A_70 : vector<128xf32> to vector<128x1xf32>
        %le3A = vector.broadcast %broadcast_in_dim3A_71 : vector<128x1xf32> to vector<128x512xf32>
        %le3A_72 = arith.cmpf ole, %select_n3A_66, %le3A : vector<128x512xf32>
        %jit3A_73 = arith.constant 1073741824 : i32
        %broadcast_in_dim3A_74 = vector.broadcast %jit3A_73 : i32 to vector<128x512xi32>
        %select_n3A_75 = arith.select %le3A_72, %add3A_62, %broadcast_in_dim3A_74 : vector<128x512xi1>, vector<128x512xi32>
        %reduce_min3A_76 = arith.constant dense<2147483647> : vector<128xi32>
        %reduce_min3A_77 = vector.multi_reduction <minsi>, %select_n3A_75, %reduce_min3A_76 [1] : vector<128x512xi32> to vector<128xi32>
        %broadcast_in_dim3A_78 = vector.shape_cast %reduce_min3A_77 : vector<128xi32> to vector<128x1xi32>
        %lt3A = arith.cmpf olt, %broadcast_in_dim3A_71, %while3A_54 : vector<128x1xf32>
        %select_n3A_79 = arith.select %lt3A, %broadcast_in_dim3A_71, %while3A_54 : vector<128x1xi1>, vector<128x1xf32>
        %select_n3A_80 = arith.select %lt3A, %broadcast_in_dim3A_78, %while3A_55 : vector<128x1xi1>, vector<128x1xi32>
        scf.yield %select_n3A_79, %select_n3A_80 : vector<128x1xf32>, vector<128x1xi32>
      }
      %eq3A = vector.broadcast %scan3A_33 : i32 to vector<128x32xi32>
      %eq3A_50 = arith.cmpi eq, %iota3A, %eq3A : vector<128x32xi32>
      %broadcast_in_dim3A_51 = vector.shape_cast %while3A_49#1 : vector<128x1xi32> to vector<128x1xi32>
      %broadcast_in_dim3A_52 = vector.broadcast %broadcast_in_dim3A_51 : vector<128x1xi32> to vector<128x32xi32>
      %select_n3A = arith.select %eq3A_50, %broadcast_in_dim3A_52, %scan3A_35 : vector<128x32xi1>, vector<128x32xi32>
      scf.yield %while3A_49#1, %select_n3A : vector<128x1xi32>, vector<128x32xi32>
    }
    %scan3A_30 = arith.constant 30 : i32
    %swap3A = arith.constant 0 : index
    %swap3A_31 = arith.constant 0 : index
    %swap3A_32 = vector.load %arg8[%swap3A, %swap3A_31] : memref<128x32xi32, #tpu.memory_space<vmem>>, vector<128x32xi32>
    tpu.vector_store %arg8[%swap3A, %swap3A_31], %scan3A_29#1 {strides = array<i32>} : memref<128x32xi32, #tpu.memory_space<vmem>>, vector<128x32xi32>,
    return
  }
  func.func @transform_0(%arg0: i32) -> i32 {
    %c0_i32 = arith.constant 0 : i32
    %c0_i32_0 = arith.constant 0 : i32
    return %c0_i32 : i32
  }
  func.func @transform_1(%arg0: i32) -> i32 {
    %c0_i32 = arith.constant 0 : i32
    %c0_i32_0 = arith.constant 0 : i32
    return %c0_i32 : i32
  }
  func.func @transform_2(%arg0: i32) -> (i32, i32) {
    %c0_i32 = arith.constant 0 : i32
    %c0_i32_0 = arith.constant 0 : i32
    %c0_i32_1 = arith.constant 0 : i32
    return %c0_i32, %c0_i32_0 : i32, i32
  }
  func.func @transform_3(%arg0: i32) -> (i32, i32) {
    %c0_i32 = arith.constant 0 : i32
    %c0_i32_0 = arith.constant 0 : i32
    return %arg0, %c0_i32 : i32, i32
  }
  func.func @transform_4(%arg0: i32) -> (i32, i32) {
    %c0_i32 = arith.constant 0 : i32
    %c0_i32_0 = arith.constant 0 : i32
    %c0_i32_1 = arith.constant 0 : i32
    return %c0_i32, %c0_i32_0 : i32, i32
  }
  func.func @transform_5(%arg0: i32) -> (i32, i32) {
    %c0_i32 = arith.constant 0 : i32
    %c0_i32_0 = arith.constant 0 : i32
    return %arg0, %c0_i32 : i32, i32
  }
  func.func @transform_6(%arg0: i32) -> (i32, i32) {
    %c0_i32 = arith.constant 0 : i32
    %c0_i32_0 = arith.constant 0 : i32
    %c0_i32_1 = arith.constant 0 : i32
    return %c0_i32, %c0_i32_0 : i32, i32
  }
  func.func @transform_7(%arg0: i32) -> (i32, i32) {
    %c0_i32 = arith.constant 0 : i32
    %c0_i32_0 = arith.constant 0 : i32
    return %arg0, %c0_i32 : i32, i32
  }
}

module attributes {stable_mosaic.version = 14 : i64} {
  func.func @_mlp_body(%arg0: i32, %arg1: memref<512x192xf32, #tpu.memory_space<vmem>>, %arg2: memref<192x1024xf32, #tpu.memory_space<vmem>>, %arg3: memref<1x1024xf32, #tpu.memory_space<vmem>>, %arg4: memref<512x1024xf32, #tpu.memory_space<vmem>>, %arg5: memref<1x1x1024xf32, #tpu.memory_space<vmem>>, %arg6: memref<1x1x1024xf32, #tpu.memory_space<vmem>>) attributes {dimension_semantics = [#tpu.dimension_semantics<arbitrary>], iteration_bounds = array<i64: 16>, scalar_prefetch = 0 : i64, scratch_operands = 0 : i64, tpu.core_type = #tpu.core_type<tc>, window_params = [{transform_indices = @transform_0, window_bounds = array<i64: 512, 192>}, {pipeline_mode = #tpu.pipeline_mode<synchronous>, transform_indices = @transform_1, window_bounds = array<i64: 192, 1024>}, {pipeline_mode = #tpu.pipeline_mode<synchronous>, transform_indices = @transform_2, window_bounds = array<i64: 1, 1024>}, {transform_indices = @transform_3, window_bounds = array<i64: 512, 1024>}, {transform_indices = @transform_4, window_bounds = array<i64: 1, 1, 1024>}, {transform_indices = @transform_5, window_bounds = array<i64: 1, 1, 1024>}]} {
    %get3A = arith.constant 0 : index
    %get3A_0 = arith.constant 0 : index
    %get3A_1 = vector.load %arg1[%get3A, %get3A_0] : memref<512x192xf32, #tpu.memory_space<vmem>>, vector<512x192xf32>
    %get3A_2 = arith.constant 0 : index
    %get3A_3 = arith.constant 0 : index
    %get3A_4 = vector.load %arg2[%get3A_2, %get3A_3] : memref<192x1024xf32, #tpu.memory_space<vmem>>, vector<192x1024xf32>
    %dot_general3A = arith.constant dense<0.000000e+00> : vector<512x1024xf32>
    %dot_general3A_5 = tpu.matmul %get3A_1, %get3A_4, %dot_general3A {dimension_numbers = #tpu.dot_dimension_numbers<[1], [0], [0], [1], [0, 0, 1, 1], [], []>, precision = #tpu.contract_precision<fp32>, transpose_lhs_hint = false} : vector<512x192xf32>, vector<192x1024xf32>, vector<512x1024xf32> -> vector<512x1024xf32>
    %get3A_6 = arith.constant 0 : index
    %get3A_7 = arith.constant 0 : index
    %get3A_8 = vector.load %arg3[%get3A_6, %get3A_7] : memref<1x1024xf32, #tpu.memory_space<vmem>>, vector<1x1024xf32>
    %add3A = vector.broadcast %get3A_8 : vector<1x1024xf32> to vector<512x1024xf32>
    %add3A_9 = arith.addf %dot_general3A_5, %add3A : vector<512x1024xf32>
    %max3A = arith.constant 0.000000e+00 : f32
    %max3A_10 = vector.broadcast %max3A : f32 to vector<512x1024xf32>
    %max3A_11 = arith.maximumf %add3A_9, %max3A_10 : vector<512x1024xf32>
    %swap3A = arith.constant 0 : index
    %swap3A_12 = arith.constant 0 : index
    %swap3A_13 = vector.load %arg4[%swap3A, %swap3A_12] : memref<512x1024xf32, #tpu.memory_space<vmem>>, vector<512x1024xf32>
    tpu.vector_store %arg4[%swap3A, %swap3A_12], %max3A_11 {strides = array<i32>} : memref<512x1024xf32, #tpu.memory_space<vmem>>, vector<512x1024xf32>,
    %reduce_sum3A = arith.constant dense<0.000000e+00> : vector<1024xf32>
    %reduce_sum3A_14 = vector.multi_reduction <add>, %max3A_11, %reduce_sum3A [0] : vector<512x1024xf32> to vector<1024xf32>
    %broadcast_in_dim3A = vector.shape_cast %reduce_sum3A_14 : vector<1024xf32> to vector<1x1024xf32>
    %swap3A_15 = arith.constant 0 : index
    %swap3A_16 = arith.constant 0 : index
    %swap3A_17 = arith.constant 0 : index
    %swap3A_18 = vector.load %arg5[%swap3A_15, %swap3A_16, %swap3A_17] : memref<1x1x1024xf32, #tpu.memory_space<vmem>>, vector<1x1x1024xf32>
    %swap3A_19 = vector.shape_cast %swap3A_18 : vector<1x1x1024xf32> to vector<1x1024xf32>
    %swap3A_20 = vector.shape_cast %broadcast_in_dim3A : vector<1x1024xf32> to vector<1x1x1024xf32>
    tpu.vector_store %arg5[%swap3A_15, %swap3A_16, %swap3A_17], %swap3A_20 {strides = array<i32>} : memref<1x1x1024xf32, #tpu.memory_space<vmem>>, vector<1x1x1024xf32>,
    %mul3A = arith.mulf %max3A_11, %max3A_11 : vector<512x1024xf32>
    %reduce_sum3A_21 = arith.constant dense<0.000000e+00> : vector<1024xf32>
    %reduce_sum3A_22 = vector.multi_reduction <add>, %mul3A, %reduce_sum3A_21 [0] : vector<512x1024xf32> to vector<1024xf32>
    %broadcast_in_dim3A_23 = vector.shape_cast %reduce_sum3A_22 : vector<1024xf32> to vector<1x1024xf32>
    %swap3A_24 = arith.constant 0 : index
    %swap3A_25 = arith.constant 0 : index
    %swap3A_26 = arith.constant 0 : index
    %swap3A_27 = vector.load %arg6[%swap3A_24, %swap3A_25, %swap3A_26] : memref<1x1x1024xf32, #tpu.memory_space<vmem>>, vector<1x1x1024xf32>
    %swap3A_28 = vector.shape_cast %swap3A_27 : vector<1x1x1024xf32> to vector<1x1024xf32>
    %swap3A_29 = vector.shape_cast %broadcast_in_dim3A_23 : vector<1x1024xf32> to vector<1x1x1024xf32>
    tpu.vector_store %arg6[%swap3A_24, %swap3A_25, %swap3A_26], %swap3A_29 {strides = array<i32>} : memref<1x1x1024xf32, #tpu.memory_space<vmem>>, vector<1x1x1024xf32>,
    return
  }
  func.func @transform_0(%arg0: i32) -> (i32, i32) {
    %c0_i32 = arith.constant 0 : i32
    %c0_i32_0 = arith.constant 0 : i32
    return %arg0, %c0_i32 : i32, i32
  }
  func.func @transform_1(%arg0: i32) -> (i32, i32) {
    %c0_i32 = arith.constant 0 : i32
    %c0_i32_0 = arith.constant 0 : i32
    %c0_i32_1 = arith.constant 0 : i32
    return %c0_i32, %c0_i32_0 : i32, i32
  }
  func.func @transform_2(%arg0: i32) -> (i32, i32) {
    %c0_i32 = arith.constant 0 : i32
    %c0_i32_0 = arith.constant 0 : i32
    %c0_i32_1 = arith.constant 0 : i32
    return %c0_i32, %c0_i32_0 : i32, i32
  }
  func.func @transform_3(%arg0: i32) -> (i32, i32) {
    %c0_i32 = arith.constant 0 : i32
    %c0_i32_0 = arith.constant 0 : i32
    return %arg0, %c0_i32 : i32, i32
  }
  func.func @transform_4(%arg0: i32) -> (i32, i32, i32) {
    %c0_i32 = arith.constant 0 : i32
    %c0_i32_0 = arith.constant 0 : i32
    %c0_i32_1 = arith.constant 0 : i32
    return %arg0, %c0_i32, %c0_i32_0 : i32, i32, i32
  }
  func.func @transform_5(%arg0: i32) -> (i32, i32, i32) {
    %c0_i32 = arith.constant 0 : i32
    %c0_i32_0 = arith.constant 0 : i32
    %c0_i32_1 = arith.constant 0 : i32
    return %arg0, %c0_i32, %c0_i32_0 : i32, i32, i32
  }
}

module attributes {stable_mosaic.version = 14 : i64} {
  func.func @_mlp_body(%arg0: i32, %arg1: memref<512x1024xf32, #tpu.memory_space<vmem>>, %arg2: memref<1024x256xf32, #tpu.memory_space<vmem>>, %arg3: memref<1x256xf32, #tpu.memory_space<vmem>>, %arg4: memref<512x256xf32, #tpu.memory_space<vmem>>, %arg5: memref<1x1x256xf32, #tpu.memory_space<vmem>>, %arg6: memref<1x1x256xf32, #tpu.memory_space<vmem>>) attributes {dimension_semantics = [#tpu.dimension_semantics<arbitrary>], iteration_bounds = array<i64: 16>, scalar_prefetch = 0 : i64, scratch_operands = 0 : i64, tpu.core_type = #tpu.core_type<tc>, window_params = [{transform_indices = @transform_0, window_bounds = array<i64: 512, 1024>}, {pipeline_mode = #tpu.pipeline_mode<synchronous>, transform_indices = @transform_1, window_bounds = array<i64: 1024, 256>}, {pipeline_mode = #tpu.pipeline_mode<synchronous>, transform_indices = @transform_2, window_bounds = array<i64: 1, 256>}, {transform_indices = @transform_3, window_bounds = array<i64: 512, 256>}, {transform_indices = @transform_4, window_bounds = array<i64: 1, 1, 256>}, {transform_indices = @transform_5, window_bounds = array<i64: 1, 1, 256>}]} {
    %get3A = arith.constant 0 : index
    %get3A_0 = arith.constant 0 : index
    %get3A_1 = vector.load %arg1[%get3A, %get3A_0] : memref<512x1024xf32, #tpu.memory_space<vmem>>, vector<512x1024xf32>
    %get3A_2 = arith.constant 0 : index
    %get3A_3 = arith.constant 0 : index
    %get3A_4 = vector.load %arg2[%get3A_2, %get3A_3] : memref<1024x256xf32, #tpu.memory_space<vmem>>, vector<1024x256xf32>
    %dot_general3A = arith.constant dense<0.000000e+00> : vector<512x256xf32>
    %dot_general3A_5 = tpu.matmul %get3A_1, %get3A_4, %dot_general3A {dimension_numbers = #tpu.dot_dimension_numbers<[1], [0], [0], [1], [0, 0, 1, 1], [], []>, precision = #tpu.contract_precision<fp32>, transpose_lhs_hint = false} : vector<512x1024xf32>, vector<1024x256xf32>, vector<512x256xf32> -> vector<512x256xf32>
    %get3A_6 = arith.constant 0 : index
    %get3A_7 = arith.constant 0 : index
    %get3A_8 = vector.load %arg3[%get3A_6, %get3A_7] : memref<1x256xf32, #tpu.memory_space<vmem>>, vector<1x256xf32>
    %add3A = vector.broadcast %get3A_8 : vector<1x256xf32> to vector<512x256xf32>
    %add3A_9 = arith.addf %dot_general3A_5, %add3A : vector<512x256xf32>
    %max3A = arith.constant 0.000000e+00 : f32
    %max3A_10 = vector.broadcast %max3A : f32 to vector<512x256xf32>
    %max3A_11 = arith.maximumf %add3A_9, %max3A_10 : vector<512x256xf32>
    %swap3A = arith.constant 0 : index
    %swap3A_12 = arith.constant 0 : index
    %swap3A_13 = vector.load %arg4[%swap3A, %swap3A_12] : memref<512x256xf32, #tpu.memory_space<vmem>>, vector<512x256xf32>
    tpu.vector_store %arg4[%swap3A, %swap3A_12], %max3A_11 {strides = array<i32>} : memref<512x256xf32, #tpu.memory_space<vmem>>, vector<512x256xf32>,
    %reduce_sum3A = arith.constant dense<0.000000e+00> : vector<256xf32>
    %reduce_sum3A_14 = vector.multi_reduction <add>, %max3A_11, %reduce_sum3A [0] : vector<512x256xf32> to vector<256xf32>
    %broadcast_in_dim3A = vector.shape_cast %reduce_sum3A_14 : vector<256xf32> to vector<1x256xf32>
    %swap3A_15 = arith.constant 0 : index
    %swap3A_16 = arith.constant 0 : index
    %swap3A_17 = arith.constant 0 : index
    %swap3A_18 = vector.load %arg5[%swap3A_15, %swap3A_16, %swap3A_17] : memref<1x1x256xf32, #tpu.memory_space<vmem>>, vector<1x1x256xf32>
    %swap3A_19 = vector.shape_cast %swap3A_18 : vector<1x1x256xf32> to vector<1x256xf32>
    %swap3A_20 = vector.shape_cast %broadcast_in_dim3A : vector<1x256xf32> to vector<1x1x256xf32>
    tpu.vector_store %arg5[%swap3A_15, %swap3A_16, %swap3A_17], %swap3A_20 {strides = array<i32>} : memref<1x1x256xf32, #tpu.memory_space<vmem>>, vector<1x1x256xf32>,
    %mul3A = arith.mulf %max3A_11, %max3A_11 : vector<512x256xf32>
    %reduce_sum3A_21 = arith.constant dense<0.000000e+00> : vector<256xf32>
    %reduce_sum3A_22 = vector.multi_reduction <add>, %mul3A, %reduce_sum3A_21 [0] : vector<512x256xf32> to vector<256xf32>
    %broadcast_in_dim3A_23 = vector.shape_cast %reduce_sum3A_22 : vector<256xf32> to vector<1x256xf32>
    %swap3A_24 = arith.constant 0 : index
    %swap3A_25 = arith.constant 0 : index
    %swap3A_26 = arith.constant 0 : index
    %swap3A_27 = vector.load %arg6[%swap3A_24, %swap3A_25, %swap3A_26] : memref<1x1x256xf32, #tpu.memory_space<vmem>>, vector<1x1x256xf32>
    %swap3A_28 = vector.shape_cast %swap3A_27 : vector<1x1x256xf32> to vector<1x256xf32>
    %swap3A_29 = vector.shape_cast %broadcast_in_dim3A_23 : vector<1x256xf32> to vector<1x1x256xf32>
    tpu.vector_store %arg6[%swap3A_24, %swap3A_25, %swap3A_26], %swap3A_29 {strides = array<i32>} : memref<1x1x256xf32, #tpu.memory_space<vmem>>, vector<1x1x256xf32>,
    return
  }
  func.func @transform_0(%arg0: i32) -> (i32, i32) {
    %c0_i32 = arith.constant 0 : i32
    %c0_i32_0 = arith.constant 0 : i32
    return %arg0, %c0_i32 : i32, i32
  }
  func.func @transform_1(%arg0: i32) -> (i32, i32) {
    %c0_i32 = arith.constant 0 : i32
    %c0_i32_0 = arith.constant 0 : i32
    %c0_i32_1 = arith.constant 0 : i32
    return %c0_i32, %c0_i32_0 : i32, i32
  }
  func.func @transform_2(%arg0: i32) -> (i32, i32) {
    %c0_i32 = arith.constant 0 : i32
    %c0_i32_0 = arith.constant 0 : i32
    %c0_i32_1 = arith.constant 0 : i32
    return %c0_i32, %c0_i32_0 : i32, i32
  }
  func.func @transform_3(%arg0: i32) -> (i32, i32) {
    %c0_i32 = arith.constant 0 : i32
    %c0_i32_0 = arith.constant 0 : i32
    return %arg0, %c0_i32 : i32, i32
  }
  func.func @transform_4(%arg0: i32) -> (i32, i32, i32) {
    %c0_i32 = arith.constant 0 : i32
    %c0_i32_0 = arith.constant 0 : i32
    %c0_i32_1 = arith.constant 0 : i32
    return %arg0, %c0_i32, %c0_i32_0 : i32, i32, i32
  }
  func.func @transform_5(%arg0: i32) -> (i32, i32, i32) {
    %c0_i32 = arith.constant 0 : i32
    %c0_i32_0 = arith.constant 0 : i32
    %c0_i32_1 = arith.constant 0 : i32
    return %arg0, %c0_i32, %c0_i32_0 : i32, i32, i32
  }
}

module attributes {stable_mosaic.version = 14 : i64} {
  func.func @_mlp_body(%arg0: i32, %arg1: memref<512x256xf32, #tpu.memory_space<vmem>>, %arg2: memref<256x128xf32, #tpu.memory_space<vmem>>, %arg3: memref<1x128xf32, #tpu.memory_space<vmem>>, %arg4: memref<512x128xf32, #tpu.memory_space<vmem>>, %arg5: memref<1x1x128xf32, #tpu.memory_space<vmem>>, %arg6: memref<1x1x128xf32, #tpu.memory_space<vmem>>) attributes {dimension_semantics = [#tpu.dimension_semantics<arbitrary>], iteration_bounds = array<i64: 16>, scalar_prefetch = 0 : i64, scratch_operands = 0 : i64, tpu.core_type = #tpu.core_type<tc>, window_params = [{transform_indices = @transform_0, window_bounds = array<i64: 512, 256>}, {pipeline_mode = #tpu.pipeline_mode<synchronous>, transform_indices = @transform_1, window_bounds = array<i64: 256, 128>}, {pipeline_mode = #tpu.pipeline_mode<synchronous>, transform_indices = @transform_2, window_bounds = array<i64: 1, 128>}, {transform_indices = @transform_3, window_bounds = array<i64: 512, 128>}, {transform_indices = @transform_4, window_bounds = array<i64: 1, 1, 128>}, {transform_indices = @transform_5, window_bounds = array<i64: 1, 1, 128>}]} {
    %get3A = arith.constant 0 : index
    %get3A_0 = arith.constant 0 : index
    %get3A_1 = vector.load %arg1[%get3A, %get3A_0] : memref<512x256xf32, #tpu.memory_space<vmem>>, vector<512x256xf32>
    %get3A_2 = arith.constant 0 : index
    %get3A_3 = arith.constant 0 : index
    %get3A_4 = vector.load %arg2[%get3A_2, %get3A_3] : memref<256x128xf32, #tpu.memory_space<vmem>>, vector<256x128xf32>
    %dot_general3A = arith.constant dense<0.000000e+00> : vector<512x128xf32>
    %dot_general3A_5 = tpu.matmul %get3A_1, %get3A_4, %dot_general3A {dimension_numbers = #tpu.dot_dimension_numbers<[1], [0], [0], [1], [0, 0, 1, 1], [], []>, precision = #tpu.contract_precision<fp32>, transpose_lhs_hint = false} : vector<512x256xf32>, vector<256x128xf32>, vector<512x128xf32> -> vector<512x128xf32>
    %get3A_6 = arith.constant 0 : index
    %get3A_7 = arith.constant 0 : index
    %get3A_8 = vector.load %arg3[%get3A_6, %get3A_7] : memref<1x128xf32, #tpu.memory_space<vmem>>, vector<1x128xf32>
    %add3A = vector.broadcast %get3A_8 : vector<1x128xf32> to vector<512x128xf32>
    %add3A_9 = arith.addf %dot_general3A_5, %add3A : vector<512x128xf32>
    %max3A = arith.constant 0.000000e+00 : f32
    %max3A_10 = vector.broadcast %max3A : f32 to vector<512x128xf32>
    %max3A_11 = arith.maximumf %add3A_9, %max3A_10 : vector<512x128xf32>
    %swap3A = arith.constant 0 : index
    %swap3A_12 = arith.constant 0 : index
    %swap3A_13 = vector.load %arg4[%swap3A, %swap3A_12] : memref<512x128xf32, #tpu.memory_space<vmem>>, vector<512x128xf32>
    tpu.vector_store %arg4[%swap3A, %swap3A_12], %max3A_11 {strides = array<i32>} : memref<512x128xf32, #tpu.memory_space<vmem>>, vector<512x128xf32>,
    %reduce_sum3A = arith.constant dense<0.000000e+00> : vector<128xf32>
    %reduce_sum3A_14 = vector.multi_reduction <add>, %max3A_11, %reduce_sum3A [0] : vector<512x128xf32> to vector<128xf32>
    %broadcast_in_dim3A = vector.shape_cast %reduce_sum3A_14 : vector<128xf32> to vector<1x128xf32>
    %swap3A_15 = arith.constant 0 : index
    %swap3A_16 = arith.constant 0 : index
    %swap3A_17 = arith.constant 0 : index
    %swap3A_18 = vector.load %arg5[%swap3A_15, %swap3A_16, %swap3A_17] : memref<1x1x128xf32, #tpu.memory_space<vmem>>, vector<1x1x128xf32>
    %swap3A_19 = vector.shape_cast %swap3A_18 : vector<1x1x128xf32> to vector<1x128xf32>
    %swap3A_20 = vector.shape_cast %broadcast_in_dim3A : vector<1x128xf32> to vector<1x1x128xf32>
    tpu.vector_store %arg5[%swap3A_15, %swap3A_16, %swap3A_17], %swap3A_20 {strides = array<i32>} : memref<1x1x128xf32, #tpu.memory_space<vmem>>, vector<1x1x128xf32>,
    %mul3A = arith.mulf %max3A_11, %max3A_11 : vector<512x128xf32>
    %reduce_sum3A_21 = arith.constant dense<0.000000e+00> : vector<128xf32>
    %reduce_sum3A_22 = vector.multi_reduction <add>, %mul3A, %reduce_sum3A_21 [0] : vector<512x128xf32> to vector<128xf32>
    %broadcast_in_dim3A_23 = vector.shape_cast %reduce_sum3A_22 : vector<128xf32> to vector<1x128xf32>
    %swap3A_24 = arith.constant 0 : index
    %swap3A_25 = arith.constant 0 : index
    %swap3A_26 = arith.constant 0 : index
    %swap3A_27 = vector.load %arg6[%swap3A_24, %swap3A_25, %swap3A_26] : memref<1x1x128xf32, #tpu.memory_space<vmem>>, vector<1x1x128xf32>
    %swap3A_28 = vector.shape_cast %swap3A_27 : vector<1x1x128xf32> to vector<1x128xf32>
    %swap3A_29 = vector.shape_cast %broadcast_in_dim3A_23 : vector<1x128xf32> to vector<1x1x128xf32>
    tpu.vector_store %arg6[%swap3A_24, %swap3A_25, %swap3A_26], %swap3A_29 {strides = array<i32>} : memref<1x1x128xf32, #tpu.memory_space<vmem>>, vector<1x1x128xf32>,
    return
  }
  func.func @transform_0(%arg0: i32) -> (i32, i32) {
    %c0_i32 = arith.constant 0 : i32
    %c0_i32_0 = arith.constant 0 : i32
    return %arg0, %c0_i32 : i32, i32
  }
  func.func @transform_1(%arg0: i32) -> (i32, i32) {
    %c0_i32 = arith.constant 0 : i32
    %c0_i32_0 = arith.constant 0 : i32
    %c0_i32_1 = arith.constant 0 : i32
    return %c0_i32, %c0_i32_0 : i32, i32
  }
  func.func @transform_2(%arg0: i32) -> (i32, i32) {
    %c0_i32 = arith.constant 0 : i32
    %c0_i32_0 = arith.constant 0 : i32
    %c0_i32_1 = arith.constant 0 : i32
    return %c0_i32, %c0_i32_0 : i32, i32
  }
  func.func @transform_3(%arg0: i32) -> (i32, i32) {
    %c0_i32 = arith.constant 0 : i32
    %c0_i32_0 = arith.constant 0 : i32
    return %arg0, %c0_i32 : i32, i32
  }
  func.func @transform_4(%arg0: i32) -> (i32, i32, i32) {
    %c0_i32 = arith.constant 0 : i32
    %c0_i32_0 = arith.constant 0 : i32
    %c0_i32_1 = arith.constant 0 : i32
    return %arg0, %c0_i32, %c0_i32_0 : i32, i32, i32
  }
  func.func @transform_5(%arg0: i32) -> (i32, i32, i32) {
    %c0_i32 = arith.constant 0 : i32
    %c0_i32_0 = arith.constant 0 : i32
    %c0_i32_1 = arith.constant 0 : i32
    return %arg0, %c0_i32, %c0_i32_0 : i32, i32, i32
  }
}

module attributes {stable_mosaic.version = 14 : i64} {
  func.func @_final_body(%arg0: i32, %arg1: memref<512x128xf32, #tpu.memory_space<vmem>>, %arg2: memref<128x13xf32, #tpu.memory_space<vmem>>, %arg3: memref<1x13xf32, #tpu.memory_space<vmem>>, %arg4: memref<512x13xf32, #tpu.memory_space<vmem>>) attributes {dimension_semantics = [#tpu.dimension_semantics<arbitrary>], iteration_bounds = array<i64: 16>, scalar_prefetch = 0 : i64, scratch_operands = 0 : i64, tpu.core_type = #tpu.core_type<tc>, window_params = [{transform_indices = @transform_0, window_bounds = array<i64: 512, 128>}, {pipeline_mode = #tpu.pipeline_mode<synchronous>, transform_indices = @transform_1, window_bounds = array<i64: 128, 13>}, {pipeline_mode = #tpu.pipeline_mode<synchronous>, transform_indices = @transform_2, window_bounds = array<i64: 1, 13>}, {transform_indices = @transform_3, window_bounds = array<i64: 512, 13>}]} {
    %get3A = arith.constant 0 : index
    %get3A_0 = arith.constant 0 : index
    %get3A_1 = vector.load %arg1[%get3A, %get3A_0] : memref<512x128xf32, #tpu.memory_space<vmem>>, vector<512x128xf32>
    %get3A_2 = arith.constant 0 : index
    %get3A_3 = arith.constant 0 : index
    %get3A_4 = vector.load %arg2[%get3A_2, %get3A_3] : memref<128x13xf32, #tpu.memory_space<vmem>>, vector<128x13xf32>
    %dot_general3A = arith.constant dense<0.000000e+00> : vector<512x13xf32>
    %dot_general3A_5 = tpu.matmul %get3A_1, %get3A_4, %dot_general3A {dimension_numbers = #tpu.dot_dimension_numbers<[1], [0], [0], [1], [0, 0, 1, 1], [], []>, precision = #tpu.contract_precision<fp32>, transpose_lhs_hint = false} : vector<512x128xf32>, vector<128x13xf32>, vector<512x13xf32> -> vector<512x13xf32>
    %get3A_6 = arith.constant 0 : index
    %get3A_7 = arith.constant 0 : index
    %get3A_8 = vector.load %arg3[%get3A_6, %get3A_7] : memref<1x13xf32, #tpu.memory_space<vmem>>, vector<1x13xf32>
    %add3A = vector.broadcast %get3A_8 : vector<1x13xf32> to vector<512x13xf32>
    %add3A_9 = arith.addf %dot_general3A_5, %add3A : vector<512x13xf32>
    %reduce_max3A = arith.constant dense<0xFF800000> : vector<512xf32>
    %reduce_max3A_10 = vector.multi_reduction <maximumf>, %add3A_9, %reduce_max3A [1] : vector<512x13xf32> to vector<512xf32>
    %broadcast_in_dim3A = vector.shape_cast %reduce_max3A_10 : vector<512xf32> to vector<512x1xf32>
    %sub3A = vector.broadcast %broadcast_in_dim3A : vector<512x1xf32> to vector<512x13xf32>
    %sub3A_11 = arith.subf %add3A_9, %sub3A : vector<512x13xf32>
    %exp3A = math.exp %sub3A_11 : vector<512x13xf32>
    %reduce_sum3A = arith.constant dense<0.000000e+00> : vector<512xf32>
    %reduce_sum3A_12 = vector.multi_reduction <add>, %exp3A, %reduce_sum3A [1] : vector<512x13xf32> to vector<512xf32>
    %broadcast_in_dim3A_13 = vector.shape_cast %reduce_sum3A_12 : vector<512xf32> to vector<512x1xf32>
    %log3A = math.log %broadcast_in_dim3A_13 : vector<512x1xf32>
    %add3A_14 = arith.addf %log3A, %broadcast_in_dim3A : vector<512x1xf32>
    %sub3A_15 = vector.broadcast %add3A_14 : vector<512x1xf32> to vector<512x13xf32>
    %sub3A_16 = arith.subf %add3A_9, %sub3A_15 : vector<512x13xf32>
    %swap3A = arith.constant 0 : index
    %swap3A_17 = arith.constant 0 : index
    %swap3A_18 = vector.load %arg4[%swap3A, %swap3A_17] : memref<512x13xf32, #tpu.memory_space<vmem>>, vector<512x13xf32>
    tpu.vector_store %arg4[%swap3A, %swap3A_17], %sub3A_16 {strides = array<i32>} : memref<512x13xf32, #tpu.memory_space<vmem>>, vector<512x13xf32>,
    return
  }
  func.func @transform_0(%arg0: i32) -> (i32, i32) {
    %c0_i32 = arith.constant 0 : i32
    %c0_i32_0 = arith.constant 0 : i32
    return %arg0, %c0_i32 : i32, i32
  }
  func.func @transform_1(%arg0: i32) -> (i32, i32) {
    %c0_i32 = arith.constant 0 : i32
    %c0_i32_0 = arith.constant 0 : i32
    %c0_i32_1 = arith.constant 0 : i32
    return %c0_i32, %c0_i32_0 : i32, i32
  }
  func.func @transform_2(%arg0: i32) -> (i32, i32) {
    %c0_i32 = arith.constant 0 : i32
    %c0_i32_0 = arith.constant 0 : i32
    %c0_i32_1 = arith.constant 0 : i32
    return %c0_i32, %c0_i32_0 : i32, i32
  }
  func.func @transform_3(%arg0: i32) -> (i32, i32) {
    %c0_i32 = arith.constant 0 : i32
    %c0_i32_0 = arith.constant 0 : i32
    return %arg0, %c0_i32 : i32, i32
  }
}

</mosaic_0001>

<sc_bundles>
// kernel: kernel.21.cloned.1.call-start
scs
__scs_entry_jumppad:
0x0: {  	(pc) =	sbr.rel $0x88, $3  }
0x1: {  	(tag) =	ssettag $0x0;
	lr =	simm.s32 $0x1  }
0x2: {  	[smem:$0x3F79] =	sst lr;
	_ =	strace $0xD0000000  }
0x3: {  	_ = 	snop  }
0x4: {  	_ = 	snop  }
0x5: {  	_ = 	snop  }
0x6: {  	_ = 	snop  }
0x7: {  	_ = 	snop  }
__scs_overlays_trampoline_lowered:
0x8: {  	[smem:$0x3F88] =	sst s0  }
0x9: {  	[smem:$0x3F89] =	sst s1  }
0xa: {  	[smem:$0x3F8A] =	sst s2  }
0xb: {  	[smem:$0x3F8B] =	sst s3  }
0xc: {  	[smem:$0x3F8C] =	sst s4  }
0xd: {  	[smem:$0x3F8D] =	sst s5  }
0xe: {  	[smem:$0x3F8E] =	sst s6  }
0xf: {  	[smem:$0x3F8F] =	sst s7  }
0x10: {  	[smem:$0x3F90] =	sst s8  }
0x11: {  	[smem:$0x3F91] =	sst s9;
	s0 =	simm.s32 @!p0 $0x0  }
0x12: {  	s1 =	sld [smem:$0x3F77];
	s0 =	simm.s32 @p0 $0x1  }
0x13: {  	[smem:$0x3F92] =	sst s0;
	s0 =	simm.s32 @!p1 $0x0  }
0x14: {  	s2 =	sld [smem:$0x3F76];
	s0 =	simm.s32 @p1 $0x1  }
0x15: {  	[smem:$0x3F93] =	sst s0;
	s0 =	simm.s32 @!p2 $0x0  }
0x16: {  	s3 =	sld [smem:$0x3FDB];
	s0 =	simm.s32 @p2 $0x1  }
0x17: {  	s4 =	simm.s32 $0x1BF5;
	[smem:$0x3F95] =	sst s0  }
0x18: {  	s0 =	sld [smem:$0x3F78];
	_ =	swait.ge [sflag:s4], $0x0  }
0x19: {  	s7 =	sld [smem:$0x3F79]  }
0x1a: {  	s8 =	sadd.s32 $0xFFFFE003, lr  }
0x1b: {  	s9 =	sadd.s32 $0xFFFFFEF7, lr;
	s5 =	simm.s32 $0xFFFFFFFF;
	p2 =	slt.u32 s8, $0xFFFFF086  }
0x1c: {  	p1 =	slt.u32 s9, $0xF7A;
	s5 =	simm.s32 @!p2 $0x0  }
0x1d: {  	s5 =	simm.s32 @p1 $0x1;
	p0 =	seq.s32 s7, s2  }
0x1e: {  	s7 =	smul.u32 @!p0 $0xF7A, s2;
	p2 =	seq.s32 @!p0 s5, $0x0  }
0x1f: {  	s9 =	smul.u32 $0xF7A, s1;
	s8 =	simm.s32 @!p0 $0x1BF5;
	p2 =	por !p2, p0  }
0x20: {  	[sflag:s8] =	ssyncset.s32 @!p0 $0xFFFFF086;
	s6 =	sadd.s32 @!p0 s3, s7;
	s7 =	simm.s32 @!p0 $0x108  }
0x21: {  	s3 =	sadd.s32 s3, s9;
	s6 =	sadd.s32 @!p0 $0x88, s6;
	s7 =	simm.s32 @p2 $0x1082  }
0x22: {  	[simem:s7], [sflag:s8] =	dma.local @!p0 [hbm:s6], $0xF7A  }
0x23: {  	s9 =	sor.u32 $0xD0000000, s2;
	s6 =	simm.s32 $0x108;
	_ =	swait.ge @!p0 [sflag:s8], $0x0  }
0x24: {  	s3 =	sadd.s32 $0x88, s3;
	s6 =	simm.s32 @!p1 $0x1082;
	[sflag:s4] =	ssyncset.s32 $0xFFFFF086  }
0x25: {  	[simem:s6], [sflag:s4] =	dma.local [hbm:s3], $0xF7A  }
0x26: {  	[smem:$0x3F79] =	sst s1;
	(tag) =	ssettag s2;
	_ =	strace s9  }
0x27: {  	s1 =	sld [smem:$0x3F89]  }
0x28: {  	s2 =	sld [smem:$0x3F8A]  }
0x29: {  	s4 =	sld [smem:$0x3F8C]  }
0x2a: {  	p0 =	seq.s32 s5, $0x0;
	s5 =	sld [smem:$0x3F8D]  }
0x2b: {  	s6 =	sld [smem:$0x3F8E]  }
0x2c: {  	s7 =	sld [smem:$0x3F8F]  }
0x2d: {  	s3 =	simm.s32 $0x108;
	s8 =	sld [smem:$0x3F90]  }
0x2e: {  	s3 =	simm.s32 @!p0 $0x1082;
	s9 =	sld [smem:$0x3F91]  }
0x2f: {  	lr =	sadd.s32 s0, s3;
	s0 =	sld [smem:$0x3F88]  }
0x30: {  	s3 =	sld [smem:$0x3F8B]  }
0x31: {  	[smem:$0x3F94] =	sst s10  }
0x32: {  	s10 =	sld [smem:$0x3F92];
	_ =	sdelay $0x3  }
0x33: {  	p0 =	seq.s32 s10, $0x1;
	s10 =	sld [smem:$0x3F94];
	_ =	sdelay $0x3  }
0x34: {  	[smem:$0x3F94] =	sst s10  }
0x35: {  	s10 =	sld [smem:$0x3F93];
	_ =	sdelay $0x3  }
0x36: {  	p1 =	seq.s32 s10, $0x1;
	s10 =	sld [smem:$0x3F94];
	_ =	sdelay $0x3  }
0x37: {  	[smem:$0x3F94] =	sst s10  }
0x38: {  	s10 =	sld [smem:$0x3F95]  }
0x39: {  	_ = 	snop;
	(pc) =	sbr.ind lr, $3  }
0x3a: {  	_ = 	snop  }
0x3b: {  	_ = 	snop  }
0x3c: {  	p2 =	seq.s32 s10, $0x1;
	s10 =	sld [smem:$0x3F94]  }
0x3d: {  	_ =	shalt  }
0x3e: {  	_ =	shalt  }
0x3f: {  	_ =	shalt  }
0x40: {  	_ =	shalt  }
0x41: {  	_ =	shalt  }
0x42: {  	_ =	shalt  }
0x43: {  	_ =	shalt  }
0x44: {  	_ =	shalt  }
0x45: {  	_ =	shalt  }
0x46: {  	_ =	shalt  }
0x47: {  	_ =	shalt  }
0x48: {  	_ =	shalt  }
0x49: {  	_ =	shalt  }
0x4a: {  	_ =	shalt  }
0x4b: {  	_ =	shalt  }
0x4c: {  	_ =	shalt  }
0x4d: {  	_ =	shalt  }
0x4e: {  	_ =	shalt  }
0x4f: {  	_ =	shalt  }
0x50: {  	_ =	shalt  }
0x51: {  	_ =	shalt  }
0x52: {  	_ =	shalt  }
0x53: {  	_ =	shalt  }
0x54: {  	_ =	shalt  }
0x55: {  	_ =	shalt  }
0x56: {  	_ =	shalt  }
0x57: {  	_ =	shalt  }
0x58: {  	_ =	shalt  }
0x59: {  	_ =	shalt  }
0x5a: {  	_ =	shalt  }
0x5b: {  	_ =	shalt  }
0x5c: {  	_ =	shalt  }
0x5d: {  	_ =	shalt  }
0x5e: {  	_ =	shalt  }
0x5f: {  	_ =	shalt  }
0x60: {  	_ =	shalt  }
0x61: {  	_ =	shalt  }
0x62: {  	_ =	shalt  }
0x63: {  	_ =	shalt  }
0x64: {  	_ =	shalt  }
0x65: {  	_ =	shalt  }
0x66: {  	_ =	shalt  }
0x67: {  	_ =	shalt  }
0x68: {  	_ =	shalt  }
0x69: {  	_ =	shalt  }
0x6a: {  	_ =	shalt  }
0x6b: {  	_ =	shalt  }
0x6c: {  	_ =	shalt  }
0x6d: {  	_ =	shalt  }
0x6e: {  	_ =	shalt  }
0x6f: {  	_ =	shalt  }
0x70: {  	_ =	shalt  }
0x71: {  	_ =	shalt  }
0x72: {  	_ =	shalt  }
0x73: {  	_ =	shalt  }
0x74: {  	_ =	shalt  }
0x75: {  	_ =	shalt  }
0x76: {  	_ =	shalt  }
0x77: {  	_ =	shalt  }
0x78: {  	_ =	shalt  }
0x79: {  	_ =	shalt  }
0x7a: {  	_ =	shalt  }
0x7b: {  	_ =	shalt  }
0x7c: {  	_ =	shalt  }
0x7d: {  	_ =	shalt  }
0x7e: {  	_ =	shalt  }
0x7f: {  	_ =	shalt  }
0x80: {  	_ =	shalt  }
0x81: {  	_ =	shalt  }
0x82: {  	_ =	shalt  }
0x83: {  	_ =	shalt  }
0x84: {  	_ =	shalt  }
0x85: {  	_ =	shalt  }
0x86: {  	_ =	shalt  }
0x87: {  	_ =	shalt  }
.Lfunc_end0:
.L_simem_size_0:
called_computation_lowered:
.L_overlay_start_0:
0x88: {  	s2 =	sld [smem:$0x3FD9]  }
0x89: {  	s3 =	sld [smem:$0x3FFE];
	_ =	sdelay $0x1  }
0x8a: {  	s1 =	srdreg.scid  }
0x8b: {  	s0 =	sand.u32 $0x1, s1  }
0x8c: {  	s16 =	sshll.u32 s0, $0xA;
	s2 =	sadd.s32 s3, s2  }
0x8d: {  	s2 =	sadd.s32 s2, s16  }
0x8e: {  	[smem:$0x3FA0] =	sst s2  }
0x8f: {  	_ = 	snop  }
0x90: {  	(tm) =	ssettm $0x1  }
0x91: {  	s17 =	sld [smem:$0x3FFB];
	_ =	sdelay $0x3  }
0x92: {  	_ =	strace s17  }
0x93: {  	s2 =	sld [smem:$0x3FFC];
	_ =	sdelay $0x3  }
0x94: {  	_ =	strace s2  }
0x95: {  	s2 =	sld [smem:$0x3FFD];
	_ =	sdelay $0x3  }
0x96: {  	_ =	strace s2  }
0x97: {  	_ =	strace $0x8FFFFFFF  }
0x98: {  	s18 =	sld [smem:$0x3FDB];
	_ =	sdelay $0x1  }
0x99: {  	s19 =	simm.s32 $_scs_section_size  }
0x9a: {  	s4 =	simm.s32 $_size__tile_overlayer_lowered;
	s5 =	simm.s32 $_tile_overlayer_lowered  }
0x9b: {  	s22 =	simm.s32 $0x1BFF;
	s21 =	sshll.u32 s5, $0x1;
	s2 =	sadd.s32 s19, s18  }
0x9c: {  	s6 =	simm.s32 $0x0;
	s20 =	sshll.u32 s4, $0x1;
	s4 =	sadd.s32 s21, s2  }
0x9d: {  	[timem:s6], [sflag:s22] =	dma.local [hbm:s4], s20  }
0x9e: {  	_ =	swait.ge [sflag:s22], s20  }
0x9f: {  	s3 =	ssub.s32 $0x0, s20;
	[sflag:s22] =	ssyncset.done $0x0  }
0xa0: {  	[sflag:s22] =	ssyncadd.s32 s3;
	_ =	sdelay $0x1  }
0xa1: {  	s23 =	simm.s32 $0x1B8B  }
0xa2: {  	_ =	swait.ge [sflag:s23], $0x1  }
0xa3: {  	[sflag:s23] =	ssyncset.done $0x0  }
0xa4: {  	s25 =	simm.s32 $0x1B8E;
	s24 =	sld [smem:$0x3FFE];
	[sflag:s23] =	ssyncadd.s32 $0xFFFFFFFF  }
0xa5: {  	s26 =	simm.s32 $execute0_lowered;
	[smem:$0x3FD2] =	sst s25  }
0xa6: {  	s4 =	sshll.u32 s26, $0x1;
	_ =	strace $0x80000046;
	[dreg:$0x1] =	wrdreg $0xFFFFFFFF  }
0xa7: {  	s28 =	simm.s32 $_size_execute0_lowered;
	s2 =	sadd.s32 s2, s4;
	[dreg:$0x0] =	wrdreg $0x0  }
0xa8: {  	s4 =	sshll.u32 s28, $0x1;
	[dreg:$0x2] =	wrdreg s2  }
0xa9: {  	[dreg:$0x3] =	wrdreg s4  }
0xaa: {  	[dreg:$0x4] =	wrdreg $0xC0  }
0xab: {  	_ =	task [dreg:s6], $0x5FFFF  }
0xac: {  	[dreg:$0x1] =	wrdreg $0xFFFFFFFF  }
0xad: {  	[dreg:$0x0] =	wrdreg $0x60  }
0xae: {  	[dreg:$0x2] =	wrdreg s24  }
0xaf: {  	[dreg:$0x3] =	wrdreg $0x9  }
0xb0: {  	_ =	task.clear_ibuf [dreg:s6], $0x4FFFF;
	_ =	strace $0x90000046  }
0xb1: {  	s29 =	simm.s32 $0x9;
	_ =	strace $0x80000048  }
0xb2: {  	_ =	swait.ge [sflag:s29], $0x1  }
0xb3: {  	[sflag:s29] =	ssyncadd.s32 $0xFFFFFFFF  }
0xb4: {  	_ =	strace $0x90000048  }
0xb5: {  	_ =	sfence  }
0xb6: {  	s30 =	sld [smem:$0x0];
	_ =	sdelay $0x2  }
0xb7: {  	s31 =	sshll.u32 s1, $0xD;
	s1 =	sshrl.u32 s1, $0x2  }
0xb8: {  	s3 =	sand.u32 $0x4000, s31;
	s1 =	sadd.s32 s1, s30  }
0xb9: {  	s0 =	sor.u32 s3, s0;
	s1 =	sshll.u32 s1, $0x11  }
0xba: {  	s0 =	sor.u32 s1, s0  }
0xbb: {  	s0 =	sadd.s32 $0x8F2B, s0  }
0xbc: {  	[sflag:s0] =	ssyncadd.remote.s32 $0x1  }
0xbd: {  	_ =	sfence.sel $0xFFFF  }
0xbe: {  	[dreg:$0x0] =	wrdreg $0xFFFFFFFF;
	(pc) =	sbr.abs _section_cstart, $3  }
0xbf: {  	[dreg:$0x1] =	wrdreg $0xFFFFFFFF  }
0xc0: {  	_ =	task.clear_ibuf [dreg:s6], $0x2FFFF;
	_ =	strace $0x9FFFFFFF  }
0xc1: {  	(tm) =	ssettm $0x7FFFFFFF  }
tec
execute0_lowered:
.L_overlay_start_1:
0x0: {  	(tag) =	ssettag $0x1  }
0x1: {  	s4 =	rddreg [dreg:$0x0]  }
0x2: {  	s0 =	rddreg [dreg:$0x1];
	s2 =	simm.s32 $0x0;
	s1 =	stileid.u32  }
0x3: {  	s3 =	srdreg.scid;
	s10 =	simm.s32 $0x0;
	s6 =	smul.u32 $0x3C00, s1  }
0x4: {  	[smem:$0x7FF] =	sst s2;
	s5 =	sand.u32 $0x1, s3;
	s8 =	smul.u32 $0x3C000, s1  }
0x5: {  	s3 =	sadd.s32 $0x2000, s4;
	s7 =	smul.u32 $0x1E00, s5;
	s9 =	ssub.s32 $0x2, s5  }
0x6: {  	_ =	strace $0x80000047;
	s5 =	smul.u32 $0x1E000, s5;
	s31 =	sshrl.u32 s9, $0x1  }
0x7: {  	s8 =	sadd.s32 s8, s4;
	s6 =	sadd.s32 s7, s6;
	s7 =	ssub.s32 s9, s31  }
0x8: {  	s5 =	sadd.s32 s5, s8;
	s8 =	simm.s32 $0x80;
	s6 =	sshrl.u32 s6, $0x3  }
0x9: {  	s9 =	simm.s32 $0x1;
	s5 =	sadd.s32 $0x4B400, s5;
	s6 =	sadd.s32 s6, s4  }
0xa: {  	s4 =	smax.u32 s7, $0x1;
	s7 =	simm.s32 $0x2;
	s6 =	sadd.s32 $0x43C00, s6  }
.LBB2_1:
0xb: {  	s11 =	sadd.s32 $0x0, s6  }
0xc: {  	[tilespmem:s2], [sflag:$0x2] =	stream.linear.gather [hbm4b:s11+s2], $0x80, $0x38;
	[tilespmem:$0x4080] =	vst v63  }
0xd: {  	_ =	swait.ge [sflag:s7], $0x80  }
0xe: {  	[sflag:s7] =	ssyncset.done $0x0  }
0xf: {  	[sflag:s7] =	ssyncadd.s32 $0xFFFFFF80  }
0x10: {  	[tilespmem:s8], [sflag:$0x1] =	stream.indirect.gather [hbm4b:s3+s8], $0x80, s2, s8, $0xb8;
	[tilespmem:$0x4080] =	vst v63  }
0x11: {  	_ =	swait.ge [sflag:s9], $0x4000  }
0x12: {  	[sflag:s9] =	ssyncset.done $0x0  }
0x13: {  	[sflag:s9] =	ssyncadd.s32 $0xFFFFC000  }
0x14: {  	[hbm4b:s5+s2] =	stream.linear.scatter [tilespmem:s8], [sflag:$0x2], $0x4000, $0x38;
	[tilespmem:$0x4080] =	vst v63  }
0x15: {  	s12 =	simm.s32 $0x10;
	_ =	swait.ge [sflag:s7], $0x4000  }
0x16: {  	s13 =	simm.s32 $0x20;
	s11 =	sadd.s32 $0x800, s5;
	[sflag:s7] =	ssyncset.done $0x0  }
.LBB2_2:
0x17: {  	s14 =	sadd.s32 s12, s6  }
0x18: {  	[sflag:s7] =	ssyncadd.s32 $0xFFFFC000;
	s12 =	smov.u32 s13;
	s15 =	sadd.s32 $0x10, s13  }
0x19: {  	[tilespmem:s2], [sflag:$0x2] =	stream.linear.gather [hbm4b:s14+s2], $0x80, $0x38;
	[tilespmem:$0x4080] =	vst v63  }
0x1a: {  	p0 =	sne.s32 s13, $0x3B0;
	_ =	swait.ge [sflag:s7], $0x80  }
0x1b: {  	[sflag:s7] =	ssyncset.done $0x0  }
0x1c: {  	[sflag:s7] =	ssyncadd.s32 $0xFFFFFF80  }
0x1d: {  	[tilespmem:s8], [sflag:$0x1] =	stream.indirect.gather [hbm4b:s3+s8], $0x80, s2, s8, $0xb8;
	[tilespmem:$0x4080] =	vst v63  }
0x1e: {  	_ =	swait.ge [sflag:s9], $0x4000  }
.Ltmp0:
0x1f: {  	[sflag:s9] =	ssyncset.done $0x0;
	(pc) =	sbr.rel @p0 .LBB2_2-.Ltmp0, $4  }
0x20: {  	[sflag:s9] =	ssyncadd.s32 $0xFFFFC000  }
0x21: {  	[hbm4b:s11+s2] =	stream.linear.scatter [tilespmem:s8], [sflag:$0x2], $0x4000, $0x38;
	[tilespmem:$0x4080] =	vst v63  }
0x22: {  	_ =	swait.ge [sflag:s7], $0x4000  }
0x23: {  	s13 =	smov.u32 s15;
	s11 =	sadd.s32 $0x800, s11;
	[sflag:s7] =	ssyncset.done $0x0  }
0x24: {  	s12 =	sadd.s32 s12, s6;
	[sflag:s7] =	ssyncadd.s32 $0xFFFFC000  }
0x25: {  	[tilespmem:s2], [sflag:$0x2] =	stream.linear.gather [hbm4b:s12+s2], $0x80, $0x38;
	[tilespmem:$0x4080] =	vst v63  }
0x26: {  	_ =	swait.ge [sflag:s7], $0x80  }
0x27: {  	[sflag:s7] =	ssyncset.done $0x0  }
0x28: {  	[sflag:s7] =	ssyncadd.s32 $0xFFFFFF80  }
0x29: {  	[tilespmem:s8], [sflag:$0x1] =	stream.indirect.gather [hbm4b:s3+s8], $0x80, s2, s8, $0xb8;
	[tilespmem:$0x4080] =	vst v63  }
0x2a: {  	s10 =	sadd.s32 $0x1, s10;
	_ =	swait.ge [sflag:s9], $0x4000  }
0x2b: {  	p0 =	sne.s32 s10, s4;
	[sflag:s9] =	ssyncset.done $0x0  }
.Ltmp1:
0x2c: {  	[sflag:s9] =	ssyncadd.s32 $0xFFFFC000;
	(pc) =	sbr.rel @p0 .LBB2_1-.Ltmp1, $4  }
0x2d: {  	[hbm4b:s11+s2] =	stream.linear.scatter [tilespmem:s8], [sflag:$0x2], $0x4000, $0x38;
	[tilespmem:$0x4080] =	vst v63  }
0x2e: {  	_ =	swait.ge [sflag:s7], $0x4000  }
0x2f: {  	[sflag:s7] =	ssyncset.done $0x0  }
0x30: {  	[sflag:s7] =	ssyncadd.s32 $0xFFFFC000  }
0x31: {  	_ =	sfence.sel $0x180000  }
0x32: {  	[bflag:$0x0] =	sbarrier.arrive $0xFFFF  }
0x33: {  	p0 =	sne.s32 s1, $0x0;
	_ =	strace $0x90000047  }
0x34: {  	s0 =	sadd.s32 @!p0 $0x100000, s0;
	[bflag:$0x2] =	sbarrier.arrive $0xFFFF  }
0x35: {  	[sflag:s0] =	ssyncadd.tile.s32 @!p0 $0x1;
	_ =	shalt  }
.Lfunc_end2:
_tile_overlayer_lowered:
.L_overlay_start_2:
0x36: {  	(tag) =	ssettag $0x2  }
0x37: {  	s0 =	rddreg [dreg:$0x0];
	s2 =	stileid.u32  }
0x38: {  	s1 =	rddreg [dreg:$0x1];
	p0 =	sne.s32 s2, $0x0  }
0x39: {  	s3 =	rddreg [dreg:$0x2];
	[bflag:$0x3] =	sbarrier.arrive $0xFFFF;
	s2 =	simm.s32 @!p0 $0x1C02  }
0x3a: {  	[timem:s3], [sflag:s2] =	dma.local @!p0 [hbm:s0], s1  }
0x3b: {  	s0 =	simm.s32 @!p0 $0x2  }
0x3c: {  	_ =	swait.ge @!p0 [sflag:s0], s1  }
0x3d: {  	s1 =	ssub.s32 @!p0 $0x0, s1;
	[sflag:s0] =	ssyncset.done @!p0 $0x0  }
0x3e: {  	[sflag:s0] =	ssyncadd.s32 @!p0 s1  }
0x3f: {  	[bflag:$0x3] =	sbarrier.arrive $0xFFFF  }
0x40: {  	_ =	shalt  }

// kernel: kernel.24.cloned.1.call-start
scs
__scs_entry_jumppad:
0x0: {  	(pc) =	sbr.rel $0x88, $3  }
0x1: {  	(tag) =	ssettag $0x0;
	lr =	simm.s32 $0x1  }
0x2: {  	[smem:$0x3F79] =	sst lr;
	_ =	strace $0xD0000000  }
0x3: {  	_ = 	snop  }
0x4: {  	_ = 	snop  }
0x5: {  	_ = 	snop  }
0x6: {  	_ = 	snop  }
0x7: {  	_ = 	snop  }
__scs_overlays_trampoline_lowered:
0x8: {  	[smem:$0x3F88] =	sst s0  }
0x9: {  	[smem:$0x3F89] =	sst s1  }
0xa: {  	[smem:$0x3F8A] =	sst s2  }
0xb: {  	[smem:$0x3F8B] =	sst s3  }
0xc: {  	[smem:$0x3F8C] =	sst s4  }
0xd: {  	[smem:$0x3F8D] =	sst s5  }
0xe: {  	[smem:$0x3F8E] =	sst s6  }
0xf: {  	[smem:$0x3F8F] =	sst s7  }
0x10: {  	[smem:$0x3F90] =	sst s8  }
0x11: {  	[smem:$0x3F91] =	sst s9;
	s0 =	simm.s32 @!p0 $0x0  }
0x12: {  	s1 =	sld [smem:$0x3F77];
	s0 =	simm.s32 @p0 $0x1  }
0x13: {  	[smem:$0x3F92] =	sst s0;
	s0 =	simm.s32 @!p1 $0x0  }
0x14: {  	s2 =	sld [smem:$0x3F76];
	s0 =	simm.s32 @p1 $0x1  }
0x15: {  	[smem:$0x3F93] =	sst s0;
	s0 =	simm.s32 @!p2 $0x0  }
0x16: {  	s3 =	sld [smem:$0x3FDB];
	s0 =	simm.s32 @p2 $0x1  }
0x17: {  	s4 =	simm.s32 $0x1BF5;
	[smem:$0x3F95] =	sst s0  }
0x18: {  	s0 =	sld [smem:$0x3F78];
	_ =	swait.ge [sflag:s4], $0x0  }
0x19: {  	s7 =	sld [smem:$0x3F79]  }
0x1a: {  	s8 =	sadd.s32 $0xFFFFE003, lr  }
0x1b: {  	s9 =	sadd.s32 $0xFFFFFEF7, lr;
	s5 =	simm.s32 $0xFFFFFFFF;
	p2 =	slt.u32 s8, $0xFFFFF086  }
0x1c: {  	p1 =	slt.u32 s9, $0xF7A;
	s5 =	simm.s32 @!p2 $0x0  }
0x1d: {  	s5 =	simm.s32 @p1 $0x1;
	p0 =	seq.s32 s7, s2  }
0x1e: {  	s7 =	smul.u32 @!p0 $0xF7A, s2;
	p2 =	seq.s32 @!p0 s5, $0x0  }
0x1f: {  	s9 =	smul.u32 $0xF7A, s1;
	s8 =	simm.s32 @!p0 $0x1BF5;
	p2 =	por !p2, p0  }
0x20: {  	[sflag:s8] =	ssyncset.s32 @!p0 $0xFFFFF086;
	s6 =	sadd.s32 @!p0 s3, s7;
	s7 =	simm.s32 @!p0 $0x108  }
0x21: {  	s3 =	sadd.s32 s3, s9;
	s6 =	sadd.s32 @!p0 $0x88, s6;
	s7 =	simm.s32 @p2 $0x1082  }
0x22: {  	[simem:s7], [sflag:s8] =	dma.local @!p0 [hbm:s6], $0xF7A  }
0x23: {  	s9 =	sor.u32 $0xD0000000, s2;
	s6 =	simm.s32 $0x108;
	_ =	swait.ge @!p0 [sflag:s8], $0x0  }
0x24: {  	s3 =	sadd.s32 $0x88, s3;
	s6 =	simm.s32 @!p1 $0x1082;
	[sflag:s4] =	ssyncset.s32 $0xFFFFF086  }
0x25: {  	[simem:s6], [sflag:s4] =	dma.local [hbm:s3], $0xF7A  }
0x26: {  	[smem:$0x3F79] =	sst s1;
	(tag) =	ssettag s2;
	_ =	strace s9  }
0x27: {  	s1 =	sld [smem:$0x3F89]  }
0x28: {  	s2 =	sld [smem:$0x3F8A]  }
0x29: {  	s4 =	sld [smem:$0x3F8C]  }
0x2a: {  	p0 =	seq.s32 s5, $0x0;
	s5 =	sld [smem:$0x3F8D]  }
0x2b: {  	s6 =	sld [smem:$0x3F8E]  }
0x2c: {  	s7 =	sld [smem:$0x3F8F]  }
0x2d: {  	s3 =	simm.s32 $0x108;
	s8 =	sld [smem:$0x3F90]  }
0x2e: {  	s3 =	simm.s32 @!p0 $0x1082;
	s9 =	sld [smem:$0x3F91]  }
0x2f: {  	lr =	sadd.s32 s0, s3;
	s0 =	sld [smem:$0x3F88]  }
0x30: {  	s3 =	sld [smem:$0x3F8B]  }
0x31: {  	[smem:$0x3F94] =	sst s10  }
0x32: {  	s10 =	sld [smem:$0x3F92];
	_ =	sdelay $0x3  }
0x33: {  	p0 =	seq.s32 s10, $0x1;
	s10 =	sld [smem:$0x3F94];
	_ =	sdelay $0x3  }
0x34: {  	[smem:$0x3F94] =	sst s10  }
0x35: {  	s10 =	sld [smem:$0x3F93];
	_ =	sdelay $0x3  }
0x36: {  	p1 =	seq.s32 s10, $0x1;
	s10 =	sld [smem:$0x3F94];
	_ =	sdelay $0x3  }
0x37: {  	[smem:$0x3F94] =	sst s10  }
0x38: {  	s10 =	sld [smem:$0x3F95]  }
0x39: {  	_ = 	snop;
	(pc) =	sbr.ind lr, $3  }
0x3a: {  	_ = 	snop  }
0x3b: {  	_ = 	snop  }
0x3c: {  	p2 =	seq.s32 s10, $0x1;
	s10 =	sld [smem:$0x3F94]  }
0x3d: {  	_ =	shalt  }
0x3e: {  	_ =	shalt  }
0x3f: {  	_ =	shalt  }
0x40: {  	_ =	shalt  }
0x41: {  	_ =	shalt  }
0x42: {  	_ =	shalt  }
0x43: {  	_ =	shalt  }
0x44: {  	_ =	shalt  }
0x45: {  	_ =	shalt  }
0x46: {  	_ =	shalt  }
0x47: {  	_ =	shalt  }
0x48: {  	_ =	shalt  }
0x49: {  	_ =	shalt  }
0x4a: {  	_ =	shalt  }
0x4b: {  	_ =	shalt  }
0x4c: {  	_ =	shalt  }
0x4d: {  	_ =	shalt  }
0x4e: {  	_ =	shalt  }
0x4f: {  	_ =	shalt  }
0x50: {  	_ =	shalt  }
0x51: {  	_ =	shalt  }
0x52: {  	_ =	shalt  }
0x53: {  	_ =	shalt  }
0x54: {  	_ =	shalt  }
0x55: {  	_ =	shalt  }
0x56: {  	_ =	shalt  }
0x57: {  	_ =	shalt  }
0x58: {  	_ =	shalt  }
0x59: {  	_ =	shalt  }
0x5a: {  	_ =	shalt  }
0x5b: {  	_ =	shalt  }
0x5c: {  	_ =	shalt  }
0x5d: {  	_ =	shalt  }
0x5e: {  	_ =	shalt  }
0x5f: {  	_ =	shalt  }
0x60: {  	_ =	shalt  }
0x61: {  	_ =	shalt  }
0x62: {  	_ =	shalt  }
0x63: {  	_ =	shalt  }
0x64: {  	_ =	shalt  }
0x65: {  	_ =	shalt  }
0x66: {  	_ =	shalt  }
0x67: {  	_ =	shalt  }
0x68: {  	_ =	shalt  }
0x69: {  	_ =	shalt  }
0x6a: {  	_ =	shalt  }
0x6b: {  	_ =	shalt  }
0x6c: {  	_ =	shalt  }
0x6d: {  	_ =	shalt  }
0x6e: {  	_ =	shalt  }
0x6f: {  	_ =	shalt  }
0x70: {  	_ =	shalt  }
0x71: {  	_ =	shalt  }
0x72: {  	_ =	shalt  }
0x73: {  	_ =	shalt  }
0x74: {  	_ =	shalt  }
0x75: {  	_ =	shalt  }
0x76: {  	_ =	shalt  }
0x77: {  	_ =	shalt  }
0x78: {  	_ =	shalt  }
0x79: {  	_ =	shalt  }
0x7a: {  	_ =	shalt  }
0x7b: {  	_ =	shalt  }
0x7c: {  	_ =	shalt  }
0x7d: {  	_ =	shalt  }
0x7e: {  	_ =	shalt  }
0x7f: {  	_ =	shalt  }
0x80: {  	_ =	shalt  }
0x81: {  	_ =	shalt  }
0x82: {  	_ =	shalt  }
0x83: {  	_ =	shalt  }
0x84: {  	_ =	shalt  }
0x85: {  	_ =	shalt  }
0x86: {  	_ =	shalt  }
0x87: {  	_ =	shalt  }
.Lfunc_end0:
.L_simem_size_0:
called_computation.1_lowered:
.L_overlay_start_0:
0x88: {  	s2 =	sld [smem:$0x3FD9]  }
0x89: {  	s3 =	sld [smem:$0x3FFE];
	_ =	sdelay $0x1  }
0x8a: {  	s1 =	srdreg.scid  }
0x8b: {  	s0 =	sand.u32 $0x1, s1  }
0x8c: {  	s16 =	sshll.u32 s0, $0xA;
	s2 =	sadd.s32 s3, s2  }
0x8d: {  	s2 =	sadd.s32 s2, s16  }
0x8e: {  	[smem:$0x3FA0] =	sst s2  }
0x8f: {  	_ = 	snop  }
0x90: {  	(tm) =	ssettm $0x1  }
0x91: {  	s17 =	sld [smem:$0x3FFB];
	_ =	sdelay $0x3  }
0x92: {  	_ =	strace s17  }
0x93: {  	s2 =	sld [smem:$0x3FFC];
	_ =	sdelay $0x3  }
0x94: {  	_ =	strace s2  }
0x95: {  	s2 =	sld [smem:$0x3FFD];
	_ =	sdelay $0x3  }
0x96: {  	_ =	strace s2  }
0x97: {  	_ =	strace $0x8FFFFFFF  }
0x98: {  	s18 =	sld [smem:$0x3FDB];
	_ =	sdelay $0x1  }
0x99: {  	s19 =	simm.s32 $_scs_section_size  }
0x9a: {  	s4 =	simm.s32 $_size__tile_overlayer_lowered;
	s5 =	simm.s32 $_tile_overlayer_lowered  }
0x9b: {  	s22 =	simm.s32 $0x1BFF;
	s21 =	sshll.u32 s5, $0x1;
	s2 =	sadd.s32 s19, s18  }
0x9c: {  	s6 =	simm.s32 $0x0;
	s20 =	sshll.u32 s4, $0x1;
	s4 =	sadd.s32 s21, s2  }
0x9d: {  	[timem:s6], [sflag:s22] =	dma.local [hbm:s4], s20  }
0x9e: {  	_ =	swait.ge [sflag:s22], s20  }
0x9f: {  	s3 =	ssub.s32 $0x0, s20;
	[sflag:s22] =	ssyncset.done $0x0  }
0xa0: {  	[sflag:s22] =	ssyncadd.s32 s3;
	_ =	sdelay $0x1  }
0xa1: {  	s23 =	simm.s32 $0x1B8B  }
0xa2: {  	_ =	swait.ge [sflag:s23], $0x1  }
0xa3: {  	[sflag:s23] =	ssyncset.done $0x0  }
0xa4: {  	s25 =	simm.s32 $0x1B8E;
	s24 =	sld [smem:$0x3FFE];
	[sflag:s23] =	ssyncadd.s32 $0xFFFFFFFF  }
0xa5: {  	s26 =	simm.s32 $execute0_lowered;
	[smem:$0x3FD2] =	sst s25  }
0xa6: {  	s4 =	sshll.u32 s26, $0x1;
	_ =	strace $0x80000049;
	[dreg:$0x1] =	wrdreg $0xFFFFFFFF  }
0xa7: {  	s28 =	simm.s32 $_size_execute0_lowered;
	s2 =	sadd.s32 s2, s4;
	[dreg:$0x0] =	wrdreg $0x0  }
0xa8: {  	s4 =	sshll.u32 s28, $0x1;
	[dreg:$0x2] =	wrdreg s2  }
0xa9: {  	[dreg:$0x3] =	wrdreg s4  }
0xaa: {  	[dreg:$0x4] =	wrdreg $0xC0  }
0xab: {  	_ =	task [dreg:s6], $0x5FFFF  }
0xac: {  	[dreg:$0x1] =	wrdreg $0xFFFFFFFF  }
0xad: {  	[dreg:$0x0] =	wrdreg $0x60  }
0xae: {  	[dreg:$0x2] =	wrdreg s24  }
0xaf: {  	[dreg:$0x3] =	wrdreg $0x9  }
0xb0: {  	_ =	task.clear_ibuf [dreg:s6], $0x4FFFF;
	_ =	strace $0x90000049  }
0xb1: {  	s29 =	simm.s32 $0x9;
	_ =	strace $0x8000004B  }
0xb2: {  	_ =	swait.ge [sflag:s29], $0x1  }
0xb3: {  	[sflag:s29] =	ssyncadd.s32 $0xFFFFFFFF  }
0xb4: {  	_ =	strace $0x9000004B  }
0xb5: {  	_ =	sfence  }
0xb6: {  	s30 =	sld [smem:$0x0];
	_ =	sdelay $0x2  }
0xb7: {  	s31 =	sshll.u32 s1, $0xD;
	s1 =	sshrl.u32 s1, $0x2  }
0xb8: {  	s3 =	sand.u32 $0x4000, s31;
	s1 =	sadd.s32 s1, s30  }
0xb9: {  	s0 =	sor.u32 s3, s0;
	s1 =	sshll.u32 s1, $0x11  }
0xba: {  	s0 =	sor.u32 s1, s0  }
0xbb: {  	s0 =	sadd.s32 $0x8F2B, s0  }
0xbc: {  	[sflag:s0] =	ssyncadd.remote.s32 $0x1  }
0xbd: {  	_ =	sfence.sel $0xFFFF  }
0xbe: {  	[dreg:$0x0] =	wrdreg $0xFFFFFFFF;
	(pc) =	sbr.abs _section_cstart, $3  }
0xbf: {  	[dreg:$0x1] =	wrdreg $0xFFFFFFFF  }
0xc0: {  	_ =	task.clear_ibuf [dreg:s6], $0x2FFFF;
	_ =	strace $0x9FFFFFFF  }
0xc1: {  	(tm) =	ssettm $0x7FFFFFFF  }
tec
execute0_lowered:
.L_overlay_start_1:
0x0: {  	(tag) =	ssettag $0x1  }
0x1: {  	s4 =	rddreg [dreg:$0x0]  }
0x2: {  	s0 =	rddreg [dreg:$0x1];
	s2 =	simm.s32 $0x0;
	s1 =	stileid.u32  }
0x3: {  	s3 =	srdreg.scid;
	s10 =	simm.s32 $0x0;
	s6 =	smul.u32 $0x3C00, s1  }
0x4: {  	[smem:$0x7FF] =	sst s2;
	s5 =	sand.u32 $0x1, s3;
	s8 =	smul.u32 $0x3C000, s1  }
0x5: {  	s3 =	sadd.s32 $0x43C00, s4;
	s7 =	smul.u32 $0x1E00, s5;
	s9 =	ssub.s32 $0x2, s5  }
0x6: {  	_ =	strace $0x8000004A;
	s5 =	smul.u32 $0x1E000, s5;
	s31 =	sshrl.u32 s9, $0x1  }
0x7: {  	s8 =	sadd.s32 s8, s4;
	s6 =	sadd.s32 s7, s6;
	s7 =	ssub.s32 s9, s31  }
0x8: {  	s5 =	sadd.s32 s5, s8;
	s8 =	simm.s32 $0x80;
	s6 =	sshrl.u32 s6, $0x3  }
0x9: {  	s9 =	simm.s32 $0x1;
	s5 =	sadd.s32 $0x6B400, s5;
	s6 =	sadd.s32 s6, s4  }
0xa: {  	s4 =	smax.u32 s7, $0x1;
	s7 =	simm.s32 $0x2;
	s6 =	sadd.s32 $0x63C00, s6  }
.LBB2_1:
0xb: {  	s11 =	sadd.s32 $0x0, s6  }
0xc: {  	[tilespmem:s2], [sflag:$0x2] =	stream.linear.gather [hbm4b:s11+s2], $0x80, $0x38;
	[tilespmem:$0x4080] =	vst v63  }
0xd: {  	_ =	swait.ge [sflag:s7], $0x80  }
0xe: {  	[sflag:s7] =	ssyncset.done $0x0  }
0xf: {  	[sflag:s7] =	ssyncadd.s32 $0xFFFFFF80  }
0x10: {  	[tilespmem:s8], [sflag:$0x1] =	stream.indirect.gather [hbm4b:s3+s8], $0x80, s2, s8, $0xb8;
	[tilespmem:$0x4080] =	vst v63  }
0x11: {  	_ =	swait.ge [sflag:s9], $0x4000  }
0x12: {  	[sflag:s9] =	ssyncset.done $0x0  }
0x13: {  	[sflag:s9] =	ssyncadd.s32 $0xFFFFC000  }
0x14: {  	[hbm4b:s5+s2] =	stream.linear.scatter [tilespmem:s8], [sflag:$0x2], $0x4000, $0x38;
	[tilespmem:$0x4080] =	vst v63  }
0x15: {  	s12 =	simm.s32 $0x10;
	_ =	swait.ge [sflag:s7], $0x4000  }
0x16: {  	s13 =	simm.s32 $0x20;
	s11 =	sadd.s32 $0x800, s5;
	[sflag:s7] =	ssyncset.done $0x0  }
.LBB2_2:
0x17: {  	s14 =	sadd.s32 s12, s6  }
0x18: {  	[sflag:s7] =	ssyncadd.s32 $0xFFFFC000;
	s12 =	smov.u32 s13;
	s15 =	sadd.s32 $0x10, s13  }
0x19: {  	[tilespmem:s2], [sflag:$0x2] =	stream.linear.gather [hbm4b:s14+s2], $0x80, $0x38;
	[tilespmem:$0x4080] =	vst v63  }
0x1a: {  	p0 =	sne.s32 s13, $0x3B0;
	_ =	swait.ge [sflag:s7], $0x80  }
0x1b: {  	[sflag:s7] =	ssyncset.done $0x0  }
0x1c: {  	[sflag:s7] =	ssyncadd.s32 $0xFFFFFF80  }
0x1d: {  	[tilespmem:s8], [sflag:$0x1] =	stream.indirect.gather [hbm4b:s3+s8], $0x80, s2, s8, $0xb8;
	[tilespmem:$0x4080] =	vst v63  }
0x1e: {  	_ =	swait.ge [sflag:s9], $0x4000  }
.Ltmp0:
0x1f: {  	[sflag:s9] =	ssyncset.done $0x0;
	(pc) =	sbr.rel @p0 .LBB2_2-.Ltmp0, $4  }
0x20: {  	[sflag:s9] =	ssyncadd.s32 $0xFFFFC000  }
0x21: {  	[hbm4b:s11+s2] =	stream.linear.scatter [tilespmem:s8], [sflag:$0x2], $0x4000, $0x38;
	[tilespmem:$0x4080] =	vst v63  }
0x22: {  	_ =	swait.ge [sflag:s7], $0x4000  }
0x23: {  	s13 =	smov.u32 s15;
	s11 =	sadd.s32 $0x800, s11;
	[sflag:s7] =	ssyncset.done $0x0  }
0x24: {  	s12 =	sadd.s32 s12, s6;
	[sflag:s7] =	ssyncadd.s32 $0xFFFFC000  }
0x25: {  	[tilespmem:s2], [sflag:$0x2] =	stream.linear.gather [hbm4b:s12+s2], $0x80, $0x38;
	[tilespmem:$0x4080] =	vst v63  }
0x26: {  	_ =	swait.ge [sflag:s7], $0x80  }
0x27: {  	[sflag:s7] =	ssyncset.done $0x0  }
0x28: {  	[sflag:s7] =	ssyncadd.s32 $0xFFFFFF80  }
0x29: {  	[tilespmem:s8], [sflag:$0x1] =	stream.indirect.gather [hbm4b:s3+s8], $0x80, s2, s8, $0xb8;
	[tilespmem:$0x4080] =	vst v63  }
0x2a: {  	s10 =	sadd.s32 $0x1, s10;
	_ =	swait.ge [sflag:s9], $0x4000  }
0x2b: {  	p0 =	sne.s32 s10, s4;
	[sflag:s9] =	ssyncset.done $0x0  }
.Ltmp1:
0x2c: {  	[sflag:s9] =	ssyncadd.s32 $0xFFFFC000;
	(pc) =	sbr.rel @p0 .LBB2_1-.Ltmp1, $4  }
0x2d: {  	[hbm4b:s11+s2] =	stream.linear.scatter [tilespmem:s8], [sflag:$0x2], $0x4000, $0x38;
	[tilespmem:$0x4080] =	vst v63  }
0x2e: {  	_ =	swait.ge [sflag:s7], $0x4000  }
0x2f: {  	[sflag:s7] =	ssyncset.done $0x0  }
0x30: {  	[sflag:s7] =	ssyncadd.s32 $0xFFFFC000  }
0x31: {  	_ =	sfence.sel $0x180000  }
0x32: {  	[bflag:$0x0] =	sbarrier.arrive $0xFFFF  }
0x33: {  	p0 =	sne.s32 s1, $0x0;
	_ =	strace $0x9000004A  }
0x34: {  	s0 =	sadd.s32 @!p0 $0x100000, s0;
	[bflag:$0x2] =	sbarrier.arrive $0xFFFF  }
0x35: {  	[sflag:s0] =	ssyncadd.tile.s32 @!p0 $0x1;
	_ =	shalt  }
.Lfunc_end2:
_tile_overlayer_lowered:
.L_overlay_start_2:
0x36: {  	(tag) =	ssettag $0x2  }
0x37: {  	s0 =	rddreg [dreg:$0x0];
	s2 =	stileid.u32  }
0x38: {  	s1 =	rddreg [dreg:$0x1];
	p0 =	sne.s32 s2, $0x0  }
0x39: {  	s3 =	rddreg [dreg:$0x2];
	[bflag:$0x3] =	sbarrier.arrive $0xFFFF;
	s2 =	simm.s32 @!p0 $0x1C02  }
0x3a: {  	[timem:s3], [sflag:s2] =	dma.local @!p0 [hbm:s0], s1  }
0x3b: {  	s0 =	simm.s32 @!p0 $0x2  }
0x3c: {  	_ =	swait.ge @!p0 [sflag:s0], s1  }
0x3d: {  	s1 =	ssub.s32 @!p0 $0x0, s1;
	[sflag:s0] =	ssyncset.done @!p0 $0x0  }
0x3e: {  	[sflag:s0] =	ssyncadd.s32 @!p0 s1  }
0x3f: {  	[bflag:$0x3] =	sbarrier.arrive $0xFFFF  }
0x40: {  	_ =	shalt  }

// kernel: kernel.27.cloned.1.call-start
scs
__scs_entry_jumppad:
0x0: {  	(pc) =	sbr.rel $0x88, $3  }
0x1: {  	(tag) =	ssettag $0x0;
	lr =	simm.s32 $0x1  }
0x2: {  	[smem:$0x3F79] =	sst lr;
	_ =	strace $0xD0000000  }
0x3: {  	_ = 	snop  }
0x4: {  	_ = 	snop  }
0x5: {  	_ = 	snop  }
0x6: {  	_ = 	snop  }
0x7: {  	_ = 	snop  }
__scs_overlays_trampoline_lowered:
0x8: {  	[smem:$0x3F88] =	sst s0  }
0x9: {  	[smem:$0x3F89] =	sst s1  }
0xa: {  	[smem:$0x3F8A] =	sst s2  }
0xb: {  	[smem:$0x3F8B] =	sst s3  }
0xc: {  	[smem:$0x3F8C] =	sst s4  }
0xd: {  	[smem:$0x3F8D] =	sst s5  }
0xe: {  	[smem:$0x3F8E] =	sst s6  }
0xf: {  	[smem:$0x3F8F] =	sst s7  }
0x10: {  	[smem:$0x3F90] =	sst s8  }
0x11: {  	[smem:$0x3F91] =	sst s9;
	s0 =	simm.s32 @!p0 $0x0  }
0x12: {  	s1 =	sld [smem:$0x3F77];
	s0 =	simm.s32 @p0 $0x1  }
0x13: {  	[smem:$0x3F92] =	sst s0;
	s0 =	simm.s32 @!p1 $0x0  }
0x14: {  	s2 =	sld [smem:$0x3F76];
	s0 =	simm.s32 @p1 $0x1  }
0x15: {  	[smem:$0x3F93] =	sst s0;
	s0 =	simm.s32 @!p2 $0x0  }
0x16: {  	s3 =	sld [smem:$0x3FDB];
	s0 =	simm.s32 @p2 $0x1  }
0x17: {  	s4 =	simm.s32 $0x1BF5;
	[smem:$0x3F95] =	sst s0  }
0x18: {  	s0 =	sld [smem:$0x3F78];
	_ =	swait.ge [sflag:s4], $0x0  }
0x19: {  	s7 =	sld [smem:$0x3F79]  }
0x1a: {  	s8 =	sadd.s32 $0xFFFFE003, lr  }
0x1b: {  	s9 =	sadd.s32 $0xFFFFFEF7, lr;
	s5 =	simm.s32 $0xFFFFFFFF;
	p2 =	slt.u32 s8, $0xFFFFF086  }
0x1c: {  	p1 =	slt.u32 s9, $0xF7A;
	s5 =	simm.s32 @!p2 $0x0  }
0x1d: {  	s5 =	simm.s32 @p1 $0x1;
	p0 =	seq.s32 s7, s2  }
0x1e: {  	s7 =	smul.u32 @!p0 $0xF7A, s2;
	p2 =	seq.s32 @!p0 s5, $0x0  }
0x1f: {  	s9 =	smul.u32 $0xF7A, s1;
	s8 =	simm.s32 @!p0 $0x1BF5;
	p2 =	por !p2, p0  }
0x20: {  	[sflag:s8] =	ssyncset.s32 @!p0 $0xFFFFF086;
	s6 =	sadd.s32 @!p0 s3, s7;
	s7 =	simm.s32 @!p0 $0x108  }
0x21: {  	s3 =	sadd.s32 s3, s9;
	s6 =	sadd.s32 @!p0 $0x88, s6;
	s7 =	simm.s32 @p2 $0x1082  }
0x22: {  	[simem:s7], [sflag:s8] =	dma.local @!p0 [hbm:s6], $0xF7A  }
0x23: {  	s9 =	sor.u32 $0xD0000000, s2;
	s6 =	simm.s32 $0x108;
	_ =	swait.ge @!p0 [sflag:s8], $0x0  }
0x24: {  	s3 =	sadd.s32 $0x88, s3;
	s6 =	simm.s32 @!p1 $0x1082;
	[sflag:s4] =	ssyncset.s32 $0xFFFFF086  }
0x25: {  	[simem:s6], [sflag:s4] =	dma.local [hbm:s3], $0xF7A  }
0x26: {  	[smem:$0x3F79] =	sst s1;
	(tag) =	ssettag s2;
	_ =	strace s9  }
0x27: {  	s1 =	sld [smem:$0x3F89]  }
0x28: {  	s2 =	sld [smem:$0x3F8A]  }
0x29: {  	s4 =	sld [smem:$0x3F8C]  }
0x2a: {  	p0 =	seq.s32 s5, $0x0;
	s5 =	sld [smem:$0x3F8D]  }
0x2b: {  	s6 =	sld [smem:$0x3F8E]  }
0x2c: {  	s7 =	sld [smem:$0x3F8F]  }
0x2d: {  	s3 =	simm.s32 $0x108;
	s8 =	sld [smem:$0x3F90]  }
0x2e: {  	s3 =	simm.s32 @!p0 $0x1082;
	s9 =	sld [smem:$0x3F91]  }
0x2f: {  	lr =	sadd.s32 s0, s3;
	s0 =	sld [smem:$0x3F88]  }
0x30: {  	s3 =	sld [smem:$0x3F8B]  }
0x31: {  	[smem:$0x3F94] =	sst s10  }
0x32: {  	s10 =	sld [smem:$0x3F92];
	_ =	sdelay $0x3  }
0x33: {  	p0 =	seq.s32 s10, $0x1;
	s10 =	sld [smem:$0x3F94];
	_ =	sdelay $0x3  }
0x34: {  	[smem:$0x3F94] =	sst s10  }
0x35: {  	s10 =	sld [smem:$0x3F93];
	_ =	sdelay $0x3  }
0x36: {  	p1 =	seq.s32 s10, $0x1;
	s10 =	sld [smem:$0x3F94];
	_ =	sdelay $0x3  }
0x37: {  	[smem:$0x3F94] =	sst s10  }
0x38: {  	s10 =	sld [smem:$0x3F95]  }
0x39: {  	_ = 	snop;
	(pc) =	sbr.ind lr, $3  }
0x3a: {  	_ = 	snop  }
0x3b: {  	_ = 	snop  }
0x3c: {  	p2 =	seq.s32 s10, $0x1;
	s10 =	sld [smem:$0x3F94]  }
0x3d: {  	_ =	shalt  }
0x3e: {  	_ =	shalt  }
0x3f: {  	_ =	shalt  }
0x40: {  	_ =	shalt  }
0x41: {  	_ =	shalt  }
0x42: {  	_ =	shalt  }
0x43: {  	_ =	shalt  }
0x44: {  	_ =	shalt  }
0x45: {  	_ =	shalt  }
0x46: {  	_ =	shalt  }
0x47: {  	_ =	shalt  }
0x48: {  	_ =	shalt  }
0x49: {  	_ =	shalt  }
0x4a: {  	_ =	shalt  }
0x4b: {  	_ =	shalt  }
0x4c: {  	_ =	shalt  }
0x4d: {  	_ =	shalt  }
0x4e: {  	_ =	shalt  }
0x4f: {  	_ =	shalt  }
0x50: {  	_ =	shalt  }
0x51: {  	_ =	shalt  }
0x52: {  	_ =	shalt  }
0x53: {  	_ =	shalt  }
0x54: {  	_ =	shalt  }
0x55: {  	_ =	shalt  }
0x56: {  	_ =	shalt  }
0x57: {  	_ =	shalt  }
0x58: {  	_ =	shalt  }
0x59: {  	_ =	shalt  }
0x5a: {  	_ =	shalt  }
0x5b: {  	_ =	shalt  }
0x5c: {  	_ =	shalt  }
0x5d: {  	_ =	shalt  }
0x5e: {  	_ =	shalt  }
0x5f: {  	_ =	shalt  }
0x60: {  	_ =	shalt  }
0x61: {  	_ =	shalt  }
0x62: {  	_ =	shalt  }
0x63: {  	_ =	shalt  }
0x64: {  	_ =	shalt  }
0x65: {  	_ =	shalt  }
0x66: {  	_ =	shalt  }
0x67: {  	_ =	shalt  }
0x68: {  	_ =	shalt  }
0x69: {  	_ =	shalt  }
0x6a: {  	_ =	shalt  }
0x6b: {  	_ =	shalt  }
0x6c: {  	_ =	shalt  }
0x6d: {  	_ =	shalt  }
0x6e: {  	_ =	shalt  }
0x6f: {  	_ =	shalt  }
0x70: {  	_ =	shalt  }
0x71: {  	_ =	shalt  }
0x72: {  	_ =	shalt  }
0x73: {  	_ =	shalt  }
0x74: {  	_ =	shalt  }
0x75: {  	_ =	shalt  }
0x76: {  	_ =	shalt  }
0x77: {  	_ =	shalt  }
0x78: {  	_ =	shalt  }
0x79: {  	_ =	shalt  }
0x7a: {  	_ =	shalt  }
0x7b: {  	_ =	shalt  }
0x7c: {  	_ =	shalt  }
0x7d: {  	_ =	shalt  }
0x7e: {  	_ =	shalt  }
0x7f: {  	_ =	shalt  }
0x80: {  	_ =	shalt  }
0x81: {  	_ =	shalt  }
0x82: {  	_ =	shalt  }
0x83: {  	_ =	shalt  }
0x84: {  	_ =	shalt  }
0x85: {  	_ =	shalt  }
0x86: {  	_ =	shalt  }
0x87: {  	_ =	shalt  }
.Lfunc_end0:
.L_simem_size_0:
called_computation.2_lowered:
.L_overlay_start_0:
0x88: {  	s2 =	sld [smem:$0x3FD9]  }
0x89: {  	s3 =	sld [smem:$0x3FFE];
	_ =	sdelay $0x1  }
0x8a: {  	s1 =	srdreg.scid  }
0x8b: {  	s0 =	sand.u32 $0x1, s1  }
0x8c: {  	s16 =	sshll.u32 s0, $0xA;
	s2 =	sadd.s32 s3, s2  }
0x8d: {  	s2 =	sadd.s32 s2, s16  }
0x8e: {  	[smem:$0x3FA0] =	sst s2  }
0x8f: {  	_ = 	snop  }
0x90: {  	(tm) =	ssettm $0x1  }
0x91: {  	s17 =	sld [smem:$0x3FFB];
	_ =	sdelay $0x3  }
0x92: {  	_ =	strace s17  }
0x93: {  	s2 =	sld [smem:$0x3FFC];
	_ =	sdelay $0x3  }
0x94: {  	_ =	strace s2  }
0x95: {  	s2 =	sld [smem:$0x3FFD];
	_ =	sdelay $0x3  }
0x96: {  	_ =	strace s2  }
0x97: {  	_ =	strace $0x8FFFFFFF  }
0x98: {  	s18 =	sld [smem:$0x3FDB];
	_ =	sdelay $0x1  }
0x99: {  	s19 =	simm.s32 $_scs_section_size  }
0x9a: {  	s4 =	simm.s32 $_size__tile_overlayer_lowered;
	s5 =	simm.s32 $_tile_overlayer_lowered  }
0x9b: {  	s22 =	simm.s32 $0x1BFF;
	s21 =	sshll.u32 s5, $0x1;
	s2 =	sadd.s32 s19, s18  }
0x9c: {  	s6 =	simm.s32 $0x0;
	s20 =	sshll.u32 s4, $0x1;
	s4 =	sadd.s32 s21, s2  }
0x9d: {  	[timem:s6], [sflag:s22] =	dma.local [hbm:s4], s20  }
0x9e: {  	_ =	swait.ge [sflag:s22], s20  }
0x9f: {  	s3 =	ssub.s32 $0x0, s20;
	[sflag:s22] =	ssyncset.done $0x0  }
0xa0: {  	[sflag:s22] =	ssyncadd.s32 s3;
	_ =	sdelay $0x1  }
0xa1: {  	s23 =	simm.s32 $0x1B8B  }
0xa2: {  	_ =	swait.ge [sflag:s23], $0x1  }
0xa3: {  	[sflag:s23] =	ssyncset.done $0x0  }
0xa4: {  	s25 =	simm.s32 $0x1B8E;
	s24 =	sld [smem:$0x3FFE];
	[sflag:s23] =	ssyncadd.s32 $0xFFFFFFFF  }
0xa5: {  	s26 =	simm.s32 $execute0_lowered;
	[smem:$0x3FD2] =	sst s25  }
0xa6: {  	s4 =	sshll.u32 s26, $0x1;
	_ =	strace $0x8000004C;
	[dreg:$0x1] =	wrdreg $0xFFFFFFFF  }
0xa7: {  	s28 =	simm.s32 $_size_execute0_lowered;
	s2 =	sadd.s32 s2, s4;
	[dreg:$0x0] =	wrdreg $0x0  }
0xa8: {  	s4 =	sshll.u32 s28, $0x1;
	[dreg:$0x2] =	wrdreg s2  }
0xa9: {  	[dreg:$0x3] =	wrdreg s4  }
0xaa: {  	[dreg:$0x4] =	wrdreg $0xC0  }
0xab: {  	_ =	task [dreg:s6], $0x5FFFF  }
0xac: {  	[dreg:$0x1] =	wrdreg $0xFFFFFFFF  }
0xad: {  	[dreg:$0x0] =	wrdreg $0x60  }
0xae: {  	[dreg:$0x2] =	wrdreg s24  }
0xaf: {  	[dreg:$0x3] =	wrdreg $0x9  }
0xb0: {  	_ =	task.clear_ibuf [dreg:s6], $0x4FFFF;
	_ =	strace $0x9000004C  }
0xb1: {  	s29 =	simm.s32 $0x9;
	_ =	strace $0x8000004E  }
0xb2: {  	_ =	swait.ge [sflag:s29], $0x1  }
0xb3: {  	[sflag:s29] =	ssyncadd.s32 $0xFFFFFFFF  }
0xb4: {  	_ =	strace $0x9000004E  }
0xb5: {  	_ =	sfence  }
0xb6: {  	s30 =	sld [smem:$0x0];
	_ =	sdelay $0x2  }
0xb7: {  	s31 =	sshll.u32 s1, $0xD;
	s1 =	sshrl.u32 s1, $0x2  }
0xb8: {  	s3 =	sand.u32 $0x4000, s31;
	s1 =	sadd.s32 s1, s30  }
0xb9: {  	s0 =	sor.u32 s3, s0;
	s1 =	sshll.u32 s1, $0x11  }
0xba: {  	s0 =	sor.u32 s1, s0  }
0xbb: {  	s0 =	sadd.s32 $0x8F2B, s0  }
0xbc: {  	[sflag:s0] =	ssyncadd.remote.s32 $0x1  }
0xbd: {  	_ =	sfence.sel $0xFFFF  }
0xbe: {  	[dreg:$0x0] =	wrdreg $0xFFFFFFFF;
	(pc) =	sbr.abs _section_cstart, $3  }
0xbf: {  	[dreg:$0x1] =	wrdreg $0xFFFFFFFF  }
0xc0: {  	_ =	task.clear_ibuf [dreg:s6], $0x2FFFF;
	_ =	strace $0x9FFFFFFF  }
0xc1: {  	(tm) =	ssettm $0x7FFFFFFF  }
tec
execute0_lowered:
.L_overlay_start_1:
0x0: {  	(tag) =	ssettag $0x1  }
0x1: {  	s4 =	rddreg [dreg:$0x0]  }
0x2: {  	s0 =	rddreg [dreg:$0x1];
	s2 =	simm.s32 $0x0;
	s1 =	stileid.u32  }
0x3: {  	s3 =	srdreg.scid;
	s10 =	simm.s32 $0x0;
	s6 =	smul.u32 $0x3C00, s1  }
0x4: {  	[smem:$0x7FF] =	sst s2;
	s5 =	sand.u32 $0x1, s3;
	s8 =	smul.u32 $0x3C000, s1  }
0x5: {  	s3 =	sadd.s32 $0x63C00, s4;
	s7 =	smul.u32 $0x1E00, s5;
	s9 =	ssub.s32 $0x2, s5  }
0x6: {  	_ =	strace $0x8000004D;
	s5 =	smul.u32 $0x1E000, s5;
	s31 =	sshrl.u32 s9, $0x1  }
0x7: {  	s8 =	sadd.s32 s8, s4;
	s6 =	sadd.s32 s7, s6;
	s7 =	ssub.s32 s9, s31  }
0x8: {  	s5 =	sadd.s32 s5, s8;
	s8 =	simm.s32 $0x80;
	s6 =	sshrl.u32 s6, $0x3  }
0x9: {  	s9 =	simm.s32 $0x1;
	s5 =	sadd.s32 $0x83C00, s5;
	s6 =	sadd.s32 s6, s4  }
0xa: {  	s4 =	smax.u32 s7, $0x1;
	s7 =	simm.s32 $0x2;
	s6 =	sadd.s32 $0x22000, s6  }
.LBB2_1:
0xb: {  	s11 =	sadd.s32 $0x0, s6  }
0xc: {  	[tilespmem:s2], [sflag:$0x2] =	stream.linear.gather [hbm4b:s11+s2], $0x80, $0x38;
	[tilespmem:$0x4080] =	vst v63  }
0xd: {  	_ =	swait.ge [sflag:s7], $0x80  }
0xe: {  	[sflag:s7] =	ssyncset.done $0x0  }
0xf: {  	[sflag:s7] =	ssyncadd.s32 $0xFFFFFF80  }
0x10: {  	[tilespmem:s8], [sflag:$0x1] =	stream.indirect.gather [hbm4b:s3+s8], $0x80, s2, s8, $0xb8;
	[tilespmem:$0x4080] =	vst v63  }
0x11: {  	_ =	swait.ge [sflag:s9], $0x4000  }
0x12: {  	[sflag:s9] =	ssyncset.done $0x0  }
0x13: {  	[sflag:s9] =	ssyncadd.s32 $0xFFFFC000  }
0x14: {  	[hbm4b:s5+s2] =	stream.linear.scatter [tilespmem:s8], [sflag:$0x2], $0x4000, $0x38;
	[tilespmem:$0x4080] =	vst v63  }
0x15: {  	s12 =	simm.s32 $0x10;
	_ =	swait.ge [sflag:s7], $0x4000  }
0x16: {  	s13 =	simm.s32 $0x20;
	s11 =	sadd.s32 $0x800, s5;
	[sflag:s7] =	ssyncset.done $0x0  }
.LBB2_2:
0x17: {  	s14 =	sadd.s32 s12, s6  }
0x18: {  	[sflag:s7] =	ssyncadd.s32 $0xFFFFC000;
	s12 =	smov.u32 s13;
	s15 =	sadd.s32 $0x10, s13  }
0x19: {  	[tilespmem:s2], [sflag:$0x2] =	stream.linear.gather [hbm4b:s14+s2], $0x80, $0x38;
	[tilespmem:$0x4080] =	vst v63  }
0x1a: {  	p0 =	sne.s32 s13, $0x3B0;
	_ =	swait.ge [sflag:s7], $0x80  }
0x1b: {  	[sflag:s7] =	ssyncset.done $0x0  }
0x1c: {  	[sflag:s7] =	ssyncadd.s32 $0xFFFFFF80  }
0x1d: {  	[tilespmem:s8], [sflag:$0x1] =	stream.indirect.gather [hbm4b:s3+s8], $0x80, s2, s8, $0xb8;
	[tilespmem:$0x4080] =	vst v63  }
0x1e: {  	_ =	swait.ge [sflag:s9], $0x4000  }
.Ltmp0:
0x1f: {  	[sflag:s9] =	ssyncset.done $0x0;
	(pc) =	sbr.rel @p0 .LBB2_2-.Ltmp0, $4  }
0x20: {  	[sflag:s9] =	ssyncadd.s32 $0xFFFFC000  }
0x21: {  	[hbm4b:s11+s2] =	stream.linear.scatter [tilespmem:s8], [sflag:$0x2], $0x4000, $0x38;
	[tilespmem:$0x4080] =	vst v63  }
0x22: {  	_ =	swait.ge [sflag:s7], $0x4000  }
0x23: {  	s13 =	smov.u32 s15;
	s11 =	sadd.s32 $0x800, s11;
	[sflag:s7] =	ssyncset.done $0x0  }
0x24: {  	s12 =	sadd.s32 s12, s6;
	[sflag:s7] =	ssyncadd.s32 $0xFFFFC000  }
0x25: {  	[tilespmem:s2], [sflag:$0x2] =	stream.linear.gather [hbm4b:s12+s2], $0x80, $0x38;
	[tilespmem:$0x4080] =	vst v63  }
0x26: {  	_ =	swait.ge [sflag:s7], $0x80  }
0x27: {  	[sflag:s7] =	ssyncset.done $0x0  }
0x28: {  	[sflag:s7] =	ssyncadd.s32 $0xFFFFFF80  }
0x29: {  	[tilespmem:s8], [sflag:$0x1] =	stream.indirect.gather [hbm4b:s3+s8], $0x80, s2, s8, $0xb8;
	[tilespmem:$0x4080] =	vst v63  }
0x2a: {  	s10 =	sadd.s32 $0x1, s10;
	_ =	swait.ge [sflag:s9], $0x4000  }
0x2b: {  	p0 =	sne.s32 s10, s4;
	[sflag:s9] =	ssyncset.done $0x0  }
.Ltmp1:
0x2c: {  	[sflag:s9] =	ssyncadd.s32 $0xFFFFC000;
	(pc) =	sbr.rel @p0 .LBB2_1-.Ltmp1, $4  }
0x2d: {  	[hbm4b:s11+s2] =	stream.linear.scatter [tilespmem:s8], [sflag:$0x2], $0x4000, $0x38;
	[tilespmem:$0x4080] =	vst v63  }
0x2e: {  	_ =	swait.ge [sflag:s7], $0x4000  }
0x2f: {  	[sflag:s7] =	ssyncset.done $0x0  }
0x30: {  	[sflag:s7] =	ssyncadd.s32 $0xFFFFC000  }
0x31: {  	_ =	sfence.sel $0x180000  }
0x32: {  	[bflag:$0x0] =	sbarrier.arrive $0xFFFF  }
0x33: {  	p0 =	sne.s32 s1, $0x0;
	_ =	strace $0x9000004D  }
0x34: {  	s0 =	sadd.s32 @!p0 $0x100000, s0;
	[bflag:$0x2] =	sbarrier.arrive $0xFFFF  }
0x35: {  	[sflag:s0] =	ssyncadd.tile.s32 @!p0 $0x1;
	_ =	shalt  }
.Lfunc_end2:
_tile_overlayer_lowered:
.L_overlay_start_2:
0x36: {  	(tag) =	ssettag $0x2  }
0x37: {  	s0 =	rddreg [dreg:$0x0];
	s2 =	stileid.u32  }
0x38: {  	s1 =	rddreg [dreg:$0x1];
	p0 =	sne.s32 s2, $0x0  }
0x39: {  	s3 =	rddreg [dreg:$0x2];
	[bflag:$0x3] =	sbarrier.arrive $0xFFFF;
	s2 =	simm.s32 @!p0 $0x1C02  }
0x3a: {  	[timem:s3], [sflag:s2] =	dma.local @!p0 [hbm:s0], s1  }
0x3b: {  	s0 =	simm.s32 @!p0 $0x2  }
0x3c: {  	_ =	swait.ge @!p0 [sflag:s0], s1  }
0x3d: {  	s1 =	ssub.s32 @!p0 $0x0, s1;
	[sflag:s0] =	ssyncset.done @!p0 $0x0  }
0x3e: {  	[sflag:s0] =	ssyncadd.s32 @!p0 s1  }
0x3f: {  	[bflag:$0x3] =	sbarrier.arrive $0xFFFF  }
0x40: {  	_ =	shalt  }

</sc_bundles>
